<compile_context>
chip_gen: v7x
topology: tpu7x:2x2x1
jax: 0.10.2.dev20260603
libtpu: 0.0.44.dev20260713+nightly
codegen_flags: <defaults>
</compile_context>

<pallas_src>
import functools

import jax
import jax.numpy as jnp
from jax import lax
from jax.experimental import pallas as pl
from jax.experimental.pallas import tpu as pltpu
from jax.experimental.pallas import tpu_sc as plsc

NUM_EMBED = 1000000
EMBED_DIM = 64
SHARED_DIM = 8
BATCH = 16384

NUM_CORES = 2
NUM_SUBCORES = 16
NUM_WORKERS = NUM_CORES * NUM_SUBCORES
B_PER_W = BATCH // NUM_WORKERS
L = 16
NG = B_PER_W // L


def _body(x_hbm, w_hbm, s_hbm, out_hbm, idx_v, rows_v, shared_v, sem):
    wid = lax.axis_index("s") * NUM_CORES + lax.axis_index("c")
    base = wid * B_PER_W
    pltpu.sync_copy(x_hbm.at[pl.ds(base, B_PER_W)], idx_v)
    pltpu.sync_copy(s_hbm, shared_v)

    def drain_group():
        for _ in range(2):
            pltpu.make_async_copy(
                w_hbm.at[0], rows_v.at[pl.ds(0, 8)], sem
            ).wait()

    def fire(g, c):
        vec = idx_v[pl.ds(g * L, L)]
        for j in range(L):
            x = vec[j]
            pltpu.async_copy(w_hbm.at[x >> 3, x & 7], rows_v.at[g * L + j], sem)

        @pl.when(g >= 4)
        def _():
            drain_group()

        return c

    lax.fori_loop(0, NG, fire, 0)
    for _ in range(4):
        drain_group()

    pat = shared_v[...]
    msk = jnp.arange(L, dtype=jnp.int32) < SHARED_DIM

    def fix(i, c):
        v = rows_v[i, pl.ds(0, L)]
        rows_v[i, pl.ds(0, L)] = jnp.where(msk, pat, v)
        return c

    lax.fori_loop(0, B_PER_W, fix, 0, unroll=8)

    pltpu.sync_copy(rows_v, out_hbm.at[pl.ds(base, B_PER_W)])


@functools.partial(
    pl.kernel,
    out_type=jax.ShapeDtypeStruct((BATCH, EMBED_DIM), jnp.float32),
    mesh=plsc.VectorSubcoreMesh(core_axis_name="c", subcore_axis_name="s"),
    scratch_types=[
        pltpu.VMEM((B_PER_W,), jnp.int32),
        pltpu.VMEM((B_PER_W, EMBED_DIM), jnp.float32),
        pltpu.VMEM((L,), jnp.float32),
        pltpu.SemaphoreType.DMA,
    ],
    compiler_params=pltpu.CompilerParams(skip_device_barrier=True),
)
def _sc_embed(x_hbm, w_hbm, s_hbm, out_hbm, idx_v, rows_v, shared_v, sem):
    _body(x_hbm, w_hbm, s_hbm, out_hbm, idx_v, rows_v, shared_v, sem)


def kernel(X, embed_weight, shared_embed):
    shared16 = jnp.tile(shared_embed.reshape(-1), 2)
    w3 = embed_weight.reshape(NUM_EMBED // 8, 8, EMBED_DIM)
    return _sc_embed(X.astype(jnp.int32), w3, shared16)

# --- scband reference (transcript-rebuilt; emitter-appended) ---
"""Pipeline reference for scband-shared-embeddings-5592047419574 (READ-ONLY COPY).

The authoritative reference and input builder live on the scoring server;
editing this copy changes nothing except your own understanding.
"""

import jax, jax.numpy as jnp
import numpy as np

NUM_EMBED = 1000000
EMBED_DIM = 64
FRAC_SHARED = 8
BATCH = 16384


def setup_inputs(seed: int = 0) -> dict:
    key = jax.random.key(seed)
    k1, k2, k3 = jax.random.split(key, 3)
    X = jax.random.randint(k1, (BATCH,), 0, NUM_EMBED, dtype=jnp.int64 if jax.config.jax_enable_x64 else jnp.int32)
    embed_weight = jnp.clip(jax.random.normal(k2, (NUM_EMBED, EMBED_DIM), dtype=jnp.float32), -2.0, 2.0)
    # padding_idx=0: nn.Embedding initializes the padding row to zeros
    embed_weight = embed_weight.at[0].set(0.0)
    shared_embed = jax.random.uniform(k3, (1, EMBED_DIM // FRAC_SHARED), dtype=jnp.float32, minval=-1.0, maxval=1.0)
    return {"X": X, "embed_weight": embed_weight, "shared_embed": shared_embed}


def reference(X, embed_weight, shared_embed):
    # dropout=0.0 -> identity
    out = jnp.take(embed_weight, X, axis=0)
    shared = jnp.broadcast_to(shared_embed, (out.shape[0], shared_embed.shape[1]))
    # add_shared_embed=False branch: overwrite the first col_embed_dim columns
    out = out.at[:, : shared.shape[1]].set(shared)
    return out

if __name__ == "__main__":
    import jax
    _d = setup_inputs()
    print(jax.jit(kernel)(*tuple(_d.values())))

</pallas_src>

<mosaic_0001>
#map = affine_map<(d0, d1) -> (0)>
#map1 = affine_map<(d0, d1) -> (0, 0, 0)>
#map2 = affine_map<(d0, d1) -> (0, 0)>
module attributes {stable_mosaic.version = 14 : i64} {
  func.func @_sc_embed(%arg0: i32, %arg1: i32, %arg2: memref<16384xi32, #tpu.memory_space<hbm>>, %arg3: memref<125000x8x64xf32, #tpu.memory_space<hbm>>, %arg4: memref<16xf32, #tpu.memory_space<hbm>>, %arg5: memref<16384x64xf32, #tpu.memory_space<hbm>>, %arg6: memref<512xi32, #tpu.memory_space<vmem>>, %arg7: memref<512x64xf32, #tpu.memory_space<vmem>>, %arg8: memref<16xf32, #tpu.memory_space<vmem>>, %arg9: memref<!tpu.dma_semaphore, #tpu.memory_space<semaphore_mem>>) attributes {dimension_semantics = [#tpu.dimension_semantics<core_parallel>, #tpu.dimension_semantics<subcore_parallel>], iteration_bounds = array<i64: 2, 16>, scalar_prefetch = 0 : i64, scratch_operands = 4 : i64, tpu.core_type = #tpu.core_type<sc_vector_subcore>, window_params = [{transform_indices = #map}, {transform_indices = #map1}, {transform_indices = #map}, {transform_indices = #map2}]} {
    %mul3A = arith.constant 2 : i32
    %mul3A_0 = arith.muli %arg1, %mul3A : i32
    %add3A = arith.addi %mul3A_0, %arg0 : i32
    %mul3A_1 = arith.constant 512 : i32
    %mul3A_2 = arith.muli %add3A, %mul3A_1 : i32
    "tpu.region"() ({
      %run_scoped3A = tpu.sem_alloc : memref<!tpu.dma_semaphore, #tpu.memory_space<semaphore_mem>>
      %dma_start3A = tpu.memref_slice %arg2[%mul3A_2] : memref<16384xi32, #tpu.memory_space<hbm>> -> memref<512xi32, #tpu.memory_space<hbm>>
      %dma_start3A_137 = tpu.memref_slice %arg2[%mul3A_2] : memref<16384xi32, #tpu.memory_space<hbm>> -> memref<512xi32, #tpu.memory_space<hbm>>
      tpu.enqueue_dma source(%dma_start3A_137 : memref<512xi32, #tpu.memory_space<hbm>>) target(%arg6 : memref<512xi32, #tpu.memory_space<vmem>>) target_semaphore(%run_scoped3A : memref<!tpu.dma_semaphore, #tpu.memory_space<semaphore_mem>>)
      %dma_wait3A_138 = tpu.memref_slice %arg2[%mul3A_2] : memref<16384xi32, #tpu.memory_space<hbm>> -> memref<512xi32, #tpu.memory_space<hbm>>
      %dma_wait3A_139 = tpu.memref_slice %arg2[%mul3A_2] : memref<16384xi32, #tpu.memory_space<hbm>> -> memref<512xi32, #tpu.memory_space<hbm>>
      tpu.wait_dma2 semaphore(%run_scoped3A : memref<!tpu.dma_semaphore, #tpu.memory_space<semaphore_mem>>) src(%dma_wait3A_139 : memref<512xi32, #tpu.memory_space<hbm>>) dst(%arg6 : memref<512xi32, #tpu.memory_space<vmem>>)
      tpu.yield
    }) : () -> ()
    "tpu.region"() ({
      %run_scoped3A = tpu.sem_alloc : memref<!tpu.dma_semaphore, #tpu.memory_space<semaphore_mem>>
      tpu.enqueue_dma source(%arg4 : memref<16xf32, #tpu.memory_space<hbm>>) target(%arg8 : memref<16xf32, #tpu.memory_space<vmem>>) target_semaphore(%run_scoped3A : memref<!tpu.dma_semaphore, #tpu.memory_space<semaphore_mem>>)
      tpu.wait_dma2 semaphore(%run_scoped3A : memref<!tpu.dma_semaphore, #tpu.memory_space<semaphore_mem>>) src(%arg4 : memref<16xf32, #tpu.memory_space<hbm>>) dst(%arg8 : memref<16xf32, #tpu.memory_space<vmem>>)
      tpu.yield
    }) : () -> ()
    %scan3A = arith.constant 0 : i32
    %scan3A_3 = arith.constant 0 : i32
    %scan3A_4 = arith.constant 32 : i32
    %scan3A_5 = arith.addi %scan3A_3, %scan3A_4 : i32
    %scan3A_6 = arith.constant 1 : i32
    scf.for %scan3A_137 = %scan3A_3 to %scan3A_5 step %scan3A_6  : i32 {
      %mul3A_138 = arith.constant 16 : i32
      %mul3A_139 = arith.muli %scan3A_137, %mul3A_138 : i32
      %get3A_140 = arith.index_cast %mul3A_139 : i32 to index
      %get3A_141 = tpu.vector_load %arg6[%get3A_140] {strides = array<i32>} : memref<512xi32, #tpu.memory_space<vmem>>, vector<16xi32>,
      %get3A_142 = vector.shape_cast %get3A_141 : vector<16xi32> to vector<16xi32>
      %slice3A = vector.extract_strided_slice %get3A_142 {offsets = [0], sizes = [1], strides = [1]} : vector<16xi32> to vector<1xi32>
      %squeeze3A = vector.extract %slice3A[0] : i32 from vector<1xi32>
      %shift_right_arithmetic3A = arith.constant 3 : i32
      %shift_right_arithmetic3A_143 = arith.shrsi %squeeze3A, %shift_right_arithmetic3A : i32
      %and3A = arith.constant 7 : i32
      %and3A_144 = arith.andi %squeeze3A, %and3A : i32
      %mul3A_145 = arith.constant 16 : i32
      %mul3A_146 = arith.muli %scan3A_137, %mul3A_145 : i32
      %add3A_147 = arith.constant 0 : i32
      %add3A_148 = arith.addi %mul3A_146, %add3A_147 : i32
      %dma_start3A = arith.constant 0 : i32
      %dma_start3A_149 = tpu.memref_slice %arg7[%add3A_148, %dma_start3A] : memref<512x64xf32, #tpu.memory_space<vmem>> -> memref<1x64xf32, #tpu.memory_space<vmem>>
      %dma_start3A_150 = tpu.memref_squeeze %dma_start3A_149 : memref<1x64xf32, #tpu.memory_space<vmem>> -> memref<64xf32, #tpu.memory_space<vmem>>
      %dma_start3A_151 = arith.constant 0 : i32
      %dma_start3A_152 = tpu.memref_slice %arg3[%shift_right_arithmetic3A_143, %and3A_144, %dma_start3A_151] : memref<125000x8x64xf32, #tpu.memory_space<hbm>> -> memref<1x1x64xf32, #tpu.memory_space<hbm>>
      %dma_start3A_153 = tpu.memref_squeeze %dma_start3A_152 : memref<1x1x64xf32, #tpu.memory_space<hbm>> -> memref<64xf32, #tpu.memory_space<hbm>>
      %dma_start3A_154 = arith.constant 0 : i32
      %dma_start3A_155 = tpu.memref_slice %arg7[%add3A_148, %dma_start3A_154] : memref<512x64xf32, #tpu.memory_space<vmem>> -> memref<1x64xf32, #tpu.memory_space<vmem>>
      %dma_start3A_156 = tpu.memref_squeeze %dma_start3A_155 : memref<1x64xf32, #tpu.memory_space<vmem>> -> memref<64xf32, #tpu.memory_space<vmem>>
      %dma_start3A_157 = arith.constant 0 : i32
      %dma_start3A_158 = tpu.memref_slice %arg3[%shift_right_arithmetic3A_143, %and3A_144, %dma_start3A_157] : memref<125000x8x64xf32, #tpu.memory_space<hbm>> -> memref<1x1x64xf32, #tpu.memory_space<hbm>>
      %dma_start3A_159 = tpu.memref_squeeze %dma_start3A_158 : memref<1x1x64xf32, #tpu.memory_space<hbm>> -> memref<64xf32, #tpu.memory_space<hbm>>
      tpu.enqueue_dma source(%dma_start3A_159 : memref<64xf32, #tpu.memory_space<hbm>>) target(%dma_start3A_156 : memref<64xf32, #tpu.memory_space<vmem>>) target_semaphore(%arg9 : memref<!tpu.dma_semaphore, #tpu.memory_space<semaphore_mem>>)
      %slice3A_160 = vector.extract_strided_slice %get3A_142 {offsets = [1], sizes = [1], strides = [1]} : vector<16xi32> to vector<1xi32>
      %squeeze3A_161 = vector.extract %slice3A_160[0] : i32 from vector<1xi32>
      %shift_right_arithmetic3A_162 = arith.constant 3 : i32
      %shift_right_arithmetic3A_163 = arith.shrsi %squeeze3A_161, %shift_right_arithmetic3A_162 : i32
      %and3A_164 = arith.constant 7 : i32
      %and3A_165 = arith.andi %squeeze3A_161, %and3A_164 : i32
      %mul3A_166 = arith.constant 16 : i32
      %mul3A_167 = arith.muli %scan3A_137, %mul3A_166 : i32
      %add3A_168 = arith.constant 1 : i32
      %add3A_169 = arith.addi %mul3A_167, %add3A_168 : i32
      %dma_start3A_170 = arith.constant 0 : i32
      %dma_start3A_171 = tpu.memref_slice %arg7[%add3A_169, %dma_start3A_170] : memref<512x64xf32, #tpu.memory_space<vmem>> -> memref<1x64xf32, #tpu.memory_space<vmem>>
      %dma_start3A_172 = tpu.memref_squeeze %dma_start3A_171 : memref<1x64xf32, #tpu.memory_space<vmem>> -> memref<64xf32, #tpu.memory_space<vmem>>
      %dma_start3A_173 = arith.constant 0 : i32
      %dma_start3A_174 = tpu.memref_slice %arg3[%shift_right_arithmetic3A_163, %and3A_165, %dma_start3A_173] : memref<125000x8x64xf32, #tpu.memory_space<hbm>> -> memref<1x1x64xf32, #tpu.memory_space<hbm>>
      %dma_start3A_175 = tpu.memref_squeeze %dma_start3A_174 : memref<1x1x64xf32, #tpu.memory_space<hbm>> -> memref<64xf32, #tpu.memory_space<hbm>>
      %dma_start3A_176 = arith.constant 0 : i32
      %dma_start3A_177 = tpu.memref_slice %arg7[%add3A_169, %dma_start3A_176] : memref<512x64xf32, #tpu.memory_space<vmem>> -> memref<1x64xf32, #tpu.memory_space<vmem>>
      %dma_start3A_178 = tpu.memref_squeeze %dma_start3A_177 : memref<1x64xf32, #tpu.memory_space<vmem>> -> memref<64xf32, #tpu.memory_space<vmem>>
      %dma_start3A_179 = arith.constant 0 : i32
      %dma_start3A_180 = tpu.memref_slice %arg3[%shift_right_arithmetic3A_163, %and3A_165, %dma_start3A_179] : memref<125000x8x64xf32, #tpu.memory_space<hbm>> -> memref<1x1x64xf32, #tpu.memory_space<hbm>>
      %dma_start3A_181 = tpu.memref_squeeze %dma_start3A_180 : memref<1x1x64xf32, #tpu.memory_space<hbm>> -> memref<64xf32, #tpu.memory_space<hbm>>
      tpu.enqueue_dma source(%dma_start3A_181 : memref<64xf32, #tpu.memory_space<hbm>>) target(%dma_start3A_178 : memref<64xf32, #tpu.memory_space<vmem>>) target_semaphore(%arg9 : memref<!tpu.dma_semaphore, #tpu.memory_space<semaphore_mem>>)
      %slice3A_182 = vector.extract_strided_slice %get3A_142 {offsets = [2], sizes = [1], strides = [1]} : vector<16xi32> to vector<1xi32>
      %squeeze3A_183 = vector.extract %slice3A_182[0] : i32 from vector<1xi32>
      %shift_right_arithmetic3A_184 = arith.constant 3 : i32
      %shift_right_arithmetic3A_185 = arith.shrsi %squeeze3A_183, %shift_right_arithmetic3A_184 : i32
      %and3A_186 = arith.constant 7 : i32
      %and3A_187 = arith.andi %squeeze3A_183, %and3A_186 : i32
      %mul3A_188 = arith.constant 16 : i32
      %mul3A_189 = arith.muli %scan3A_137, %mul3A_188 : i32
      %add3A_190 = arith.constant 2 : i32
      %add3A_191 = arith.addi %mul3A_189, %add3A_190 : i32
      %dma_start3A_192 = arith.constant 0 : i32
      %dma_start3A_193 = tpu.memref_slice %arg7[%add3A_191, %dma_start3A_192] : memref<512x64xf32, #tpu.memory_space<vmem>> -> memref<1x64xf32, #tpu.memory_space<vmem>>
      %dma_start3A_194 = tpu.memref_squeeze %dma_start3A_193 : memref<1x64xf32, #tpu.memory_space<vmem>> -> memref<64xf32, #tpu.memory_space<vmem>>
      %dma_start3A_195 = arith.constant 0 : i32
      %dma_start3A_196 = tpu.memref_slice %arg3[%shift_right_arithmetic3A_185, %and3A_187, %dma_start3A_195] : memref<125000x8x64xf32, #tpu.memory_space<hbm>> -> memref<1x1x64xf32, #tpu.memory_space<hbm>>
      %dma_start3A_197 = tpu.memref_squeeze %dma_start3A_196 : memref<1x1x64xf32, #tpu.memory_space<hbm>> -> memref<64xf32, #tpu.memory_space<hbm>>
      %dma_start3A_198 = arith.constant 0 : i32
      %dma_start3A_199 = tpu.memref_slice %arg7[%add3A_191, %dma_start3A_198] : memref<512x64xf32, #tpu.memory_space<vmem>> -> memref<1x64xf32, #tpu.memory_space<vmem>>
      %dma_start3A_200 = tpu.memref_squeeze %dma_start3A_199 : memref<1x64xf32, #tpu.memory_space<vmem>> -> memref<64xf32, #tpu.memory_space<vmem>>
      %dma_start3A_201 = arith.constant 0 : i32
      %dma_start3A_202 = tpu.memref_slice %arg3[%shift_right_arithmetic3A_185, %and3A_187, %dma_start3A_201] : memref<125000x8x64xf32, #tpu.memory_space<hbm>> -> memref<1x1x64xf32, #tpu.memory_space<hbm>>
      %dma_start3A_203 = tpu.memref_squeeze %dma_start3A_202 : memref<1x1x64xf32, #tpu.memory_space<hbm>> -> memref<64xf32, #tpu.memory_space<hbm>>
      tpu.enqueue_dma source(%dma_start3A_203 : memref<64xf32, #tpu.memory_space<hbm>>) target(%dma_start3A_200 : memref<64xf32, #tpu.memory_space<vmem>>) target_semaphore(%arg9 : memref<!tpu.dma_semaphore, #tpu.memory_space<semaphore_mem>>)
      %slice3A_204 = vector.extract_strided_slice %get3A_142 {offsets = [3], sizes = [1], strides = [1]} : vector<16xi32> to vector<1xi32>
      %squeeze3A_205 = vector.extract %slice3A_204[0] : i32 from vector<1xi32>
      %shift_right_arithmetic3A_206 = arith.constant 3 : i32
      %shift_right_arithmetic3A_207 = arith.shrsi %squeeze3A_205, %shift_right_arithmetic3A_206 : i32
      %and3A_208 = arith.constant 7 : i32
      %and3A_209 = arith.andi %squeeze3A_205, %and3A_208 : i32
      %mul3A_210 = arith.constant 16 : i32
      %mul3A_211 = arith.muli %scan3A_137, %mul3A_210 : i32
      %add3A_212 = arith.constant 3 : i32
      %add3A_213 = arith.addi %mul3A_211, %add3A_212 : i32
      %dma_start3A_214 = arith.constant 0 : i32
      %dma_start3A_215 = tpu.memref_slice %arg7[%add3A_213, %dma_start3A_214] : memref<512x64xf32, #tpu.memory_space<vmem>> -> memref<1x64xf32, #tpu.memory_space<vmem>>
      %dma_start3A_216 = tpu.memref_squeeze %dma_start3A_215 : memref<1x64xf32, #tpu.memory_space<vmem>> -> memref<64xf32, #tpu.memory_space<vmem>>
      %dma_start3A_217 = arith.constant 0 : i32
      %dma_start3A_218 = tpu.memref_slice %arg3[%shift_right_arithmetic3A_207, %and3A_209, %dma_start3A_217] : memref<125000x8x64xf32, #tpu.memory_space<hbm>> -> memref<1x1x64xf32, #tpu.memory_space<hbm>>
      %dma_start3A_219 = tpu.memref_squeeze %dma_start3A_218 : memref<1x1x64xf32, #tpu.memory_space<hbm>> -> memref<64xf32, #tpu.memory_space<hbm>>
      %dma_start3A_220 = arith.constant 0 : i32
      %dma_start3A_221 = tpu.memref_slice %arg7[%add3A_213, %dma_start3A_220] : memref<512x64xf32, #tpu.memory_space<vmem>> -> memref<1x64xf32, #tpu.memory_space<vmem>>
      %dma_start3A_222 = tpu.memref_squeeze %dma_start3A_221 : memref<1x64xf32, #tpu.memory_space<vmem>> -> memref<64xf32, #tpu.memory_space<vmem>>
      %dma_start3A_223 = arith.constant 0 : i32
      %dma_start3A_224 = tpu.memref_slice %arg3[%shift_right_arithmetic3A_207, %and3A_209, %dma_start3A_223] : memref<125000x8x64xf32, #tpu.memory_space<hbm>> -> memref<1x1x64xf32, #tpu.memory_space<hbm>>
      %dma_start3A_225 = tpu.memref_squeeze %dma_start3A_224 : memref<1x1x64xf32, #tpu.memory_space<hbm>> -> memref<64xf32, #tpu.memory_space<hbm>>
      tpu.enqueue_dma source(%dma_start3A_225 : memref<64xf32, #tpu.memory_space<hbm>>) target(%dma_start3A_222 : memref<64xf32, #tpu.memory_space<vmem>>) target_semaphore(%arg9 : memref<!tpu.dma_semaphore, #tpu.memory_space<semaphore_mem>>)
      %slice3A_226 = vector.extract_strided_slice %get3A_142 {offsets = [4], sizes = [1], strides = [1]} : vector<16xi32> to vector<1xi32>
      %squeeze3A_227 = vector.extract %slice3A_226[0] : i32 from vector<1xi32>
      %shift_right_arithmetic3A_228 = arith.constant 3 : i32
      %shift_right_arithmetic3A_229 = arith.shrsi %squeeze3A_227, %shift_right_arithmetic3A_228 : i32
      %and3A_230 = arith.constant 7 : i32
      %and3A_231 = arith.andi %squeeze3A_227, %and3A_230 : i32
      %mul3A_232 = arith.constant 16 : i32
      %mul3A_233 = arith.muli %scan3A_137, %mul3A_232 : i32
      %add3A_234 = arith.constant 4 : i32
      %add3A_235 = arith.addi %mul3A_233, %add3A_234 : i32
      %dma_start3A_236 = arith.constant 0 : i32
      %dma_start3A_237 = tpu.memref_slice %arg7[%add3A_235, %dma_start3A_236] : memref<512x64xf32, #tpu.memory_space<vmem>> -> memref<1x64xf32, #tpu.memory_space<vmem>>
      %dma_start3A_238 = tpu.memref_squeeze %dma_start3A_237 : memref<1x64xf32, #tpu.memory_space<vmem>> -> memref<64xf32, #tpu.memory_space<vmem>>
      %dma_start3A_239 = arith.constant 0 : i32
      %dma_start3A_240 = tpu.memref_slice %arg3[%shift_right_arithmetic3A_229, %and3A_231, %dma_start3A_239] : memref<125000x8x64xf32, #tpu.memory_space<hbm>> -> memref<1x1x64xf32, #tpu.memory_space<hbm>>
      %dma_start3A_241 = tpu.memref_squeeze %dma_start3A_240 : memref<1x1x64xf32, #tpu.memory_space<hbm>> -> memref<64xf32, #tpu.memory_space<hbm>>
      %dma_start3A_242 = arith.constant 0 : i32
      %dma_start3A_243 = tpu.memref_slice %arg7[%add3A_235, %dma_start3A_242] : memref<512x64xf32, #tpu.memory_space<vmem>> -> memref<1x64xf32, #tpu.memory_space<vmem>>
      %dma_start3A_244 = tpu.memref_squeeze %dma_start3A_243 : memref<1x64xf32, #tpu.memory_space<vmem>> -> memref<64xf32, #tpu.memory_space<vmem>>
      %dma_start3A_245 = arith.constant 0 : i32
      %dma_start3A_246 = tpu.memref_slice %arg3[%shift_right_arithmetic3A_229, %and3A_231, %dma_start3A_245] : memref<125000x8x64xf32, #tpu.memory_space<hbm>> -> memref<1x1x64xf32, #tpu.memory_space<hbm>>
      %dma_start3A_247 = tpu.memref_squeeze %dma_start3A_246 : memref<1x1x64xf32, #tpu.memory_space<hbm>> -> memref<64xf32, #tpu.memory_space<hbm>>
      tpu.enqueue_dma source(%dma_start3A_247 : memref<64xf32, #tpu.memory_space<hbm>>) target(%dma_start3A_244 : memref<64xf32, #tpu.memory_space<vmem>>) target_semaphore(%arg9 : memref<!tpu.dma_semaphore, #tpu.memory_space<semaphore_mem>>)
      %slice3A_248 = vector.extract_strided_slice %get3A_142 {offsets = [5], sizes = [1], strides = [1]} : vector<16xi32> to vector<1xi32>
      %squeeze3A_249 = vector.extract %slice3A_248[0] : i32 from vector<1xi32>
      %shift_right_arithmetic3A_250 = arith.constant 3 : i32
      %shift_right_arithmetic3A_251 = arith.shrsi %squeeze3A_249, %shift_right_arithmetic3A_250 : i32
      %and3A_252 = arith.constant 7 : i32
      %and3A_253 = arith.andi %squeeze3A_249, %and3A_252 : i32
      %mul3A_254 = arith.constant 16 : i32
      %mul3A_255 = arith.muli %scan3A_137, %mul3A_254 : i32
      %add3A_256 = arith.constant 5 : i32
      %add3A_257 = arith.addi %mul3A_255, %add3A_256 : i32
      %dma_start3A_258 = arith.constant 0 : i32
      %dma_start3A_259 = tpu.memref_slice %arg7[%add3A_257, %dma_start3A_258] : memref<512x64xf32, #tpu.memory_space<vmem>> -> memref<1x64xf32, #tpu.memory_space<vmem>>
      %dma_start3A_260 = tpu.memref_squeeze %dma_start3A_259 : memref<1x64xf32, #tpu.memory_space<vmem>> -> memref<64xf32, #tpu.memory_space<vmem>>
      %dma_start3A_261 = arith.constant 0 : i32
      %dma_start3A_262 = tpu.memref_slice %arg3[%shift_right_arithmetic3A_251, %and3A_253, %dma_start3A_261] : memref<125000x8x64xf32, #tpu.memory_space<hbm>> -> memref<1x1x64xf32, #tpu.memory_space<hbm>>
      %dma_start3A_263 = tpu.memref_squeeze %dma_start3A_262 : memref<1x1x64xf32, #tpu.memory_space<hbm>> -> memref<64xf32, #tpu.memory_space<hbm>>
      %dma_start3A_264 = arith.constant 0 : i32
      %dma_start3A_265 = tpu.memref_slice %arg7[%add3A_257, %dma_start3A_264] : memref<512x64xf32, #tpu.memory_space<vmem>> -> memref<1x64xf32, #tpu.memory_space<vmem>>
      %dma_start3A_266 = tpu.memref_squeeze %dma_start3A_265 : memref<1x64xf32, #tpu.memory_space<vmem>> -> memref<64xf32, #tpu.memory_space<vmem>>
      %dma_start3A_267 = arith.constant 0 : i32
      %dma_start3A_268 = tpu.memref_slice %arg3[%shift_right_arithmetic3A_251, %and3A_253, %dma_start3A_267] : memref<125000x8x64xf32, #tpu.memory_space<hbm>> -> memref<1x1x64xf32, #tpu.memory_space<hbm>>
      %dma_start3A_269 = tpu.memref_squeeze %dma_start3A_268 : memref<1x1x64xf32, #tpu.memory_space<hbm>> -> memref<64xf32, #tpu.memory_space<hbm>>
      tpu.enqueue_dma source(%dma_start3A_269 : memref<64xf32, #tpu.memory_space<hbm>>) target(%dma_start3A_266 : memref<64xf32, #tpu.memory_space<vmem>>) target_semaphore(%arg9 : memref<!tpu.dma_semaphore, #tpu.memory_space<semaphore_mem>>)
      %slice3A_270 = vector.extract_strided_slice %get3A_142 {offsets = [6], sizes = [1], strides = [1]} : vector<16xi32> to vector<1xi32>
      %squeeze3A_271 = vector.extract %slice3A_270[0] : i32 from vector<1xi32>
      %shift_right_arithmetic3A_272 = arith.constant 3 : i32
      %shift_right_arithmetic3A_273 = arith.shrsi %squeeze3A_271, %shift_right_arithmetic3A_272 : i32
      %and3A_274 = arith.constant 7 : i32
      %and3A_275 = arith.andi %squeeze3A_271, %and3A_274 : i32
      %mul3A_276 = arith.constant 16 : i32
      %mul3A_277 = arith.muli %scan3A_137, %mul3A_276 : i32
      %add3A_278 = arith.constant 6 : i32
      %add3A_279 = arith.addi %mul3A_277, %add3A_278 : i32
      %dma_start3A_280 = arith.constant 0 : i32
      %dma_start3A_281 = tpu.memref_slice %arg7[%add3A_279, %dma_start3A_280] : memref<512x64xf32, #tpu.memory_space<vmem>> -> memref<1x64xf32, #tpu.memory_space<vmem>>
      %dma_start3A_282 = tpu.memref_squeeze %dma_start3A_281 : memref<1x64xf32, #tpu.memory_space<vmem>> -> memref<64xf32, #tpu.memory_space<vmem>>
      %dma_start3A_283 = arith.constant 0 : i32
      %dma_start3A_284 = tpu.memref_slice %arg3[%shift_right_arithmetic3A_273, %and3A_275, %dma_start3A_283] : memref<125000x8x64xf32, #tpu.memory_space<hbm>> -> memref<1x1x64xf32, #tpu.memory_space<hbm>>
      %dma_start3A_285 = tpu.memref_squeeze %dma_start3A_284 : memref<1x1x64xf32, #tpu.memory_space<hbm>> -> memref<64xf32, #tpu.memory_space<hbm>>
      %dma_start3A_286 = arith.constant 0 : i32
      %dma_start3A_287 = tpu.memref_slice %arg7[%add3A_279, %dma_start3A_286] : memref<512x64xf32, #tpu.memory_space<vmem>> -> memref<1x64xf32, #tpu.memory_space<vmem>>
      %dma_start3A_288 = tpu.memref_squeeze %dma_start3A_287 : memref<1x64xf32, #tpu.memory_space<vmem>> -> memref<64xf32, #tpu.memory_space<vmem>>
      %dma_start3A_289 = arith.constant 0 : i32
      %dma_start3A_290 = tpu.memref_slice %arg3[%shift_right_arithmetic3A_273, %and3A_275, %dma_start3A_289] : memref<125000x8x64xf32, #tpu.memory_space<hbm>> -> memref<1x1x64xf32, #tpu.memory_space<hbm>>
      %dma_start3A_291 = tpu.memref_squeeze %dma_start3A_290 : memref<1x1x64xf32, #tpu.memory_space<hbm>> -> memref<64xf32, #tpu.memory_space<hbm>>
      tpu.enqueue_dma source(%dma_start3A_291 : memref<64xf32, #tpu.memory_space<hbm>>) target(%dma_start3A_288 : memref<64xf32, #tpu.memory_space<vmem>>) target_semaphore(%arg9 : memref<!tpu.dma_semaphore, #tpu.memory_space<semaphore_mem>>)
      %slice3A_292 = vector.extract_strided_slice %get3A_142 {offsets = [7], sizes = [1], strides = [1]} : vector<16xi32> to vector<1xi32>
      %squeeze3A_293 = vector.extract %slice3A_292[0] : i32 from vector<1xi32>
      %shift_right_arithmetic3A_294 = arith.constant 3 : i32
      %shift_right_arithmetic3A_295 = arith.shrsi %squeeze3A_293, %shift_right_arithmetic3A_294 : i32
      %and3A_296 = arith.constant 7 : i32
      %and3A_297 = arith.andi %squeeze3A_293, %and3A_296 : i32
      %mul3A_298 = arith.constant 16 : i32
      %mul3A_299 = arith.muli %scan3A_137, %mul3A_298 : i32
      %add3A_300 = arith.constant 7 : i32
      %add3A_301 = arith.addi %mul3A_299, %add3A_300 : i32
      %dma_start3A_302 = arith.constant 0 : i32
      %dma_start3A_303 = tpu.memref_slice %arg7[%add3A_301, %dma_start3A_302] : memref<512x64xf32, #tpu.memory_space<vmem>> -> memref<1x64xf32, #tpu.memory_space<vmem>>
      %dma_start3A_304 = tpu.memref_squeeze %dma_start3A_303 : memref<1x64xf32, #tpu.memory_space<vmem>> -> memref<64xf32, #tpu.memory_space<vmem>>
      %dma_start3A_305 = arith.constant 0 : i32
      %dma_start3A_306 = tpu.memref_slice %arg3[%shift_right_arithmetic3A_295, %and3A_297, %dma_start3A_305] : memref<125000x8x64xf32, #tpu.memory_space<hbm>> -> memref<1x1x64xf32, #tpu.memory_space<hbm>>
      %dma_start3A_307 = tpu.memref_squeeze %dma_start3A_306 : memref<1x1x64xf32, #tpu.memory_space<hbm>> -> memref<64xf32, #tpu.memory_space<hbm>>
      %dma_start3A_308 = arith.constant 0 : i32
      %dma_start3A_309 = tpu.memref_slice %arg7[%add3A_301, %dma_start3A_308] : memref<512x64xf32, #tpu.memory_space<vmem>> -> memref<1x64xf32, #tpu.memory_space<vmem>>
      %dma_start3A_310 = tpu.memref_squeeze %dma_start3A_309 : memref<1x64xf32, #tpu.memory_space<vmem>> -> memref<64xf32, #tpu.memory_space<vmem>>
      %dma_start3A_311 = arith.constant 0 : i32
      %dma_start3A_312 = tpu.memref_slice %arg3[%shift_right_arithmetic3A_295, %and3A_297, %dma_start3A_311] : memref<125000x8x64xf32, #tpu.memory_space<hbm>> -> memref<1x1x64xf32, #tpu.memory_space<hbm>>
      %dma_start3A_313 = tpu.memref_squeeze %dma_start3A_312 : memref<1x1x64xf32, #tpu.memory_space<hbm>> -> memref<64xf32, #tpu.memory_space<hbm>>
      tpu.enqueue_dma source(%dma_start3A_313 : memref<64xf32, #tpu.memory_space<hbm>>) target(%dma_start3A_310 : memref<64xf32, #tpu.memory_space<vmem>>) target_semaphore(%arg9 : memref<!tpu.dma_semaphore, #tpu.memory_space<semaphore_mem>>)
      %slice3A_314 = vector.extract_strided_slice %get3A_142 {offsets = [8], sizes = [1], strides = [1]} : vector<16xi32> to vector<1xi32>
      %squeeze3A_315 = vector.extract %slice3A_314[0] : i32 from vector<1xi32>
      %shift_right_arithmetic3A_316 = arith.constant 3 : i32
      %shift_right_arithmetic3A_317 = arith.shrsi %squeeze3A_315, %shift_right_arithmetic3A_316 : i32
      %and3A_318 = arith.constant 7 : i32
      %and3A_319 = arith.andi %squeeze3A_315, %and3A_318 : i32
      %mul3A_320 = arith.constant 16 : i32
      %mul3A_321 = arith.muli %scan3A_137, %mul3A_320 : i32
      %add3A_322 = arith.constant 8 : i32
      %add3A_323 = arith.addi %mul3A_321, %add3A_322 : i32
      %dma_start3A_324 = arith.constant 0 : i32
      %dma_start3A_325 = tpu.memref_slice %arg7[%add3A_323, %dma_start3A_324] : memref<512x64xf32, #tpu.memory_space<vmem>> -> memref<1x64xf32, #tpu.memory_space<vmem>>
      %dma_start3A_326 = tpu.memref_squeeze %dma_start3A_325 : memref<1x64xf32, #tpu.memory_space<vmem>> -> memref<64xf32, #tpu.memory_space<vmem>>
      %dma_start3A_327 = arith.constant 0 : i32
      %dma_start3A_328 = tpu.memref_slice %arg3[%shift_right_arithmetic3A_317, %and3A_319, %dma_start3A_327] : memref<125000x8x64xf32, #tpu.memory_space<hbm>> -> memref<1x1x64xf32, #tpu.memory_space<hbm>>
      %dma_start3A_329 = tpu.memref_squeeze %dma_start3A_328 : memref<1x1x64xf32, #tpu.memory_space<hbm>> -> memref<64xf32, #tpu.memory_space<hbm>>
      %dma_start3A_330 = arith.constant 0 : i32
      %dma_start3A_331 = tpu.memref_slice %arg7[%add3A_323, %dma_start3A_330] : memref<512x64xf32, #tpu.memory_space<vmem>> -> memref<1x64xf32, #tpu.memory_space<vmem>>
      %dma_start3A_332 = tpu.memref_squeeze %dma_start3A_331 : memref<1x64xf32, #tpu.memory_space<vmem>> -> memref<64xf32, #tpu.memory_space<vmem>>
      %dma_start3A_333 = arith.constant 0 : i32
      %dma_start3A_334 = tpu.memref_slice %arg3[%shift_right_arithmetic3A_317, %and3A_319, %dma_start3A_333] : memref<125000x8x64xf32, #tpu.memory_space<hbm>> -> memref<1x1x64xf32, #tpu.memory_space<hbm>>
      %dma_start3A_335 = tpu.memref_squeeze %dma_start3A_334 : memref<1x1x64xf32, #tpu.memory_space<hbm>> -> memref<64xf32, #tpu.memory_space<hbm>>
      tpu.enqueue_dma source(%dma_start3A_335 : memref<64xf32, #tpu.memory_space<hbm>>) target(%dma_start3A_332 : memref<64xf32, #tpu.memory_space<vmem>>) target_semaphore(%arg9 : memref<!tpu.dma_semaphore, #tpu.memory_space<semaphore_mem>>)
      %slice3A_336 = vector.extract_strided_slice %get3A_142 {offsets = [9], sizes = [1], strides = [1]} : vector<16xi32> to vector<1xi32>
      %squeeze3A_337 = vector.extract %slice3A_336[0] : i32 from vector<1xi32>
      %shift_right_arithmetic3A_338 = arith.constant 3 : i32
      %shift_right_arithmetic3A_339 = arith.shrsi %squeeze3A_337, %shift_right_arithmetic3A_338 : i32
      %and3A_340 = arith.constant 7 : i32
      %and3A_341 = arith.andi %squeeze3A_337, %and3A_340 : i32
      %mul3A_342 = arith.constant 16 : i32
      %mul3A_343 = arith.muli %scan3A_137, %mul3A_342 : i32
      %add3A_344 = arith.constant 9 : i32
      %add3A_345 = arith.addi %mul3A_343, %add3A_344 : i32
      %dma_start3A_346 = arith.constant 0 : i32
      %dma_start3A_347 = tpu.memref_slice %arg7[%add3A_345, %dma_start3A_346] : memref<512x64xf32, #tpu.memory_space<vmem>> -> memref<1x64xf32, #tpu.memory_space<vmem>>
      %dma_start3A_348 = tpu.memref_squeeze %dma_start3A_347 : memref<1x64xf32, #tpu.memory_space<vmem>> -> memref<64xf32, #tpu.memory_space<vmem>>
      %dma_start3A_349 = arith.constant 0 : i32
      %dma_start3A_350 = tpu.memref_slice %arg3[%shift_right_arithmetic3A_339, %and3A_341, %dma_start3A_349] : memref<125000x8x64xf32, #tpu.memory_space<hbm>> -> memref<1x1x64xf32, #tpu.memory_space<hbm>>
      %dma_start3A_351 = tpu.memref_squeeze %dma_start3A_350 : memref<1x1x64xf32, #tpu.memory_space<hbm>> -> memref<64xf32, #tpu.memory_space<hbm>>
      %dma_start3A_352 = arith.constant 0 : i32
      %dma_start3A_353 = tpu.memref_slice %arg7[%add3A_345, %dma_start3A_352] : memref<512x64xf32, #tpu.memory_space<vmem>> -> memref<1x64xf32, #tpu.memory_space<vmem>>
      %dma_start3A_354 = tpu.memref_squeeze %dma_start3A_353 : memref<1x64xf32, #tpu.memory_space<vmem>> -> memref<64xf32, #tpu.memory_space<vmem>>
      %dma_start3A_355 = arith.constant 0 : i32
      %dma_start3A_356 = tpu.memref_slice %arg3[%shift_right_arithmetic3A_339, %and3A_341, %dma_start3A_355] : memref<125000x8x64xf32, #tpu.memory_space<hbm>> -> memref<1x1x64xf32, #tpu.memory_space<hbm>>
      %dma_start3A_357 = tpu.memref_squeeze %dma_start3A_356 : memref<1x1x64xf32, #tpu.memory_space<hbm>> -> memref<64xf32, #tpu.memory_space<hbm>>
      tpu.enqueue_dma source(%dma_start3A_357 : memref<64xf32, #tpu.memory_space<hbm>>) target(%dma_start3A_354 : memref<64xf32, #tpu.memory_space<vmem>>) target_semaphore(%arg9 : memref<!tpu.dma_semaphore, #tpu.memory_space<semaphore_mem>>)
      %slice3A_358 = vector.extract_strided_slice %get3A_142 {offsets = [10], sizes = [1], strides = [1]} : vector<16xi32> to vector<1xi32>
      %squeeze3A_359 = vector.extract %slice3A_358[0] : i32 from vector<1xi32>
      %shift_right_arithmetic3A_360 = arith.constant 3 : i32
      %shift_right_arithmetic3A_361 = arith.shrsi %squeeze3A_359, %shift_right_arithmetic3A_360 : i32
      %and3A_362 = arith.constant 7 : i32
      %and3A_363 = arith.andi %squeeze3A_359, %and3A_362 : i32
      %mul3A_364 = arith.constant 16 : i32
      %mul3A_365 = arith.muli %scan3A_137, %mul3A_364 : i32
      %add3A_366 = arith.constant 10 : i32
      %add3A_367 = arith.addi %mul3A_365, %add3A_366 : i32
      %dma_start3A_368 = arith.constant 0 : i32
      %dma_start3A_369 = tpu.memref_slice %arg7[%add3A_367, %dma_start3A_368] : memref<512x64xf32, #tpu.memory_space<vmem>> -> memref<1x64xf32, #tpu.memory_space<vmem>>
      %dma_start3A_370 = tpu.memref_squeeze %dma_start3A_369 : memref<1x64xf32, #tpu.memory_space<vmem>> -> memref<64xf32, #tpu.memory_space<vmem>>
      %dma_start3A_371 = arith.constant 0 : i32
      %dma_start3A_372 = tpu.memref_slice %arg3[%shift_right_arithmetic3A_361, %and3A_363, %dma_start3A_371] : memref<125000x8x64xf32, #tpu.memory_space<hbm>> -> memref<1x1x64xf32, #tpu.memory_space<hbm>>
      %dma_start3A_373 = tpu.memref_squeeze %dma_start3A_372 : memref<1x1x64xf32, #tpu.memory_space<hbm>> -> memref<64xf32, #tpu.memory_space<hbm>>
      %dma_start3A_374 = arith.constant 0 : i32
      %dma_start3A_375 = tpu.memref_slice %arg7[%add3A_367, %dma_start3A_374] : memref<512x64xf32, #tpu.memory_space<vmem>> -> memref<1x64xf32, #tpu.memory_space<vmem>>
      %dma_start3A_376 = tpu.memref_squeeze %dma_start3A_375 : memref<1x64xf32, #tpu.memory_space<vmem>> -> memref<64xf32, #tpu.memory_space<vmem>>
      %dma_start3A_377 = arith.constant 0 : i32
      %dma_start3A_378 = tpu.memref_slice %arg3[%shift_right_arithmetic3A_361, %and3A_363, %dma_start3A_377] : memref<125000x8x64xf32, #tpu.memory_space<hbm>> -> memref<1x1x64xf32, #tpu.memory_space<hbm>>
      %dma_start3A_379 = tpu.memref_squeeze %dma_start3A_378 : memref<1x1x64xf32, #tpu.memory_space<hbm>> -> memref<64xf32, #tpu.memory_space<hbm>>
      tpu.enqueue_dma source(%dma_start3A_379 : memref<64xf32, #tpu.memory_space<hbm>>) target(%dma_start3A_376 : memref<64xf32, #tpu.memory_space<vmem>>) target_semaphore(%arg9 : memref<!tpu.dma_semaphore, #tpu.memory_space<semaphore_mem>>)
      %slice3A_380 = vector.extract_strided_slice %get3A_142 {offsets = [11], sizes = [1], strides = [1]} : vector<16xi32> to vector<1xi32>
      %squeeze3A_381 = vector.extract %slice3A_380[0] : i32 from vector<1xi32>
      %shift_right_arithmetic3A_382 = arith.constant 3 : i32
      %shift_right_arithmetic3A_383 = arith.shrsi %squeeze3A_381, %shift_right_arithmetic3A_382 : i32
      %and3A_384 = arith.constant 7 : i32
      %and3A_385 = arith.andi %squeeze3A_381, %and3A_384 : i32
      %mul3A_386 = arith.constant 16 : i32
      %mul3A_387 = arith.muli %scan3A_137, %mul3A_386 : i32
      %add3A_388 = arith.constant 11 : i32
      %add3A_389 = arith.addi %mul3A_387, %add3A_388 : i32
      %dma_start3A_390 = arith.constant 0 : i32
      %dma_start3A_391 = tpu.memref_slice %arg7[%add3A_389, %dma_start3A_390] : memref<512x64xf32, #tpu.memory_space<vmem>> -> memref<1x64xf32, #tpu.memory_space<vmem>>
      %dma_start3A_392 = tpu.memref_squeeze %dma_start3A_391 : memref<1x64xf32, #tpu.memory_space<vmem>> -> memref<64xf32, #tpu.memory_space<vmem>>
      %dma_start3A_393 = arith.constant 0 : i32
      %dma_start3A_394 = tpu.memref_slice %arg3[%shift_right_arithmetic3A_383, %and3A_385, %dma_start3A_393] : memref<125000x8x64xf32, #tpu.memory_space<hbm>> -> memref<1x1x64xf32, #tpu.memory_space<hbm>>
      %dma_start3A_395 = tpu.memref_squeeze %dma_start3A_394 : memref<1x1x64xf32, #tpu.memory_space<hbm>> -> memref<64xf32, #tpu.memory_space<hbm>>
      %dma_start3A_396 = arith.constant 0 : i32
      %dma_start3A_397 = tpu.memref_slice %arg7[%add3A_389, %dma_start3A_396] : memref<512x64xf32, #tpu.memory_space<vmem>> -> memref<1x64xf32, #tpu.memory_space<vmem>>
      %dma_start3A_398 = tpu.memref_squeeze %dma_start3A_397 : memref<1x64xf32, #tpu.memory_space<vmem>> -> memref<64xf32, #tpu.memory_space<vmem>>
      %dma_start3A_399 = arith.constant 0 : i32
      %dma_start3A_400 = tpu.memref_slice %arg3[%shift_right_arithmetic3A_383, %and3A_385, %dma_start3A_399] : memref<125000x8x64xf32, #tpu.memory_space<hbm>> -> memref<1x1x64xf32, #tpu.memory_space<hbm>>
      %dma_start3A_401 = tpu.memref_squeeze %dma_start3A_400 : memref<1x1x64xf32, #tpu.memory_space<hbm>> -> memref<64xf32, #tpu.memory_space<hbm>>
      tpu.enqueue_dma source(%dma_start3A_401 : memref<64xf32, #tpu.memory_space<hbm>>) target(%dma_start3A_398 : memref<64xf32, #tpu.memory_space<vmem>>) target_semaphore(%arg9 : memref<!tpu.dma_semaphore, #tpu.memory_space<semaphore_mem>>)
      %slice3A_402 = vector.extract_strided_slice %get3A_142 {offsets = [12], sizes = [1], strides = [1]} : vector<16xi32> to vector<1xi32>
      %squeeze3A_403 = vector.extract %slice3A_402[0] : i32 from vector<1xi32>
      %shift_right_arithmetic3A_404 = arith.constant 3 : i32
      %shift_right_arithmetic3A_405 = arith.shrsi %squeeze3A_403, %shift_right_arithmetic3A_404 : i32
      %and3A_406 = arith.constant 7 : i32
      %and3A_407 = arith.andi %squeeze3A_403, %and3A_406 : i32
      %mul3A_408 = arith.constant 16 : i32
      %mul3A_409 = arith.muli %scan3A_137, %mul3A_408 : i32
      %add3A_410 = arith.constant 12 : i32
      %add3A_411 = arith.addi %mul3A_409, %add3A_410 : i32
      %dma_start3A_412 = arith.constant 0 : i32
      %dma_start3A_413 = tpu.memref_slice %arg7[%add3A_411, %dma_start3A_412] : memref<512x64xf32, #tpu.memory_space<vmem>> -> memref<1x64xf32, #tpu.memory_space<vmem>>
      %dma_start3A_414 = tpu.memref_squeeze %dma_start3A_413 : memref<1x64xf32, #tpu.memory_space<vmem>> -> memref<64xf32, #tpu.memory_space<vmem>>
      %dma_start3A_415 = arith.constant 0 : i32
      %dma_start3A_416 = tpu.memref_slice %arg3[%shift_right_arithmetic3A_405, %and3A_407, %dma_start3A_415] : memref<125000x8x64xf32, #tpu.memory_space<hbm>> -> memref<1x1x64xf32, #tpu.memory_space<hbm>>
      %dma_start3A_417 = tpu.memref_squeeze %dma_start3A_416 : memref<1x1x64xf32, #tpu.memory_space<hbm>> -> memref<64xf32, #tpu.memory_space<hbm>>
      %dma_start3A_418 = arith.constant 0 : i32
      %dma_start3A_419 = tpu.memref_slice %arg7[%add3A_411, %dma_start3A_418] : memref<512x64xf32, #tpu.memory_space<vmem>> -> memref<1x64xf32, #tpu.memory_space<vmem>>
      %dma_start3A_420 = tpu.memref_squeeze %dma_start3A_419 : memref<1x64xf32, #tpu.memory_space<vmem>> -> memref<64xf32, #tpu.memory_space<vmem>>
      %dma_start3A_421 = arith.constant 0 : i32
      %dma_start3A_422 = tpu.memref_slice %arg3[%shift_right_arithmetic3A_405, %and3A_407, %dma_start3A_421] : memref<125000x8x64xf32, #tpu.memory_space<hbm>> -> memref<1x1x64xf32, #tpu.memory_space<hbm>>
      %dma_start3A_423 = tpu.memref_squeeze %dma_start3A_422 : memref<1x1x64xf32, #tpu.memory_space<hbm>> -> memref<64xf32, #tpu.memory_space<hbm>>
      tpu.enqueue_dma source(%dma_start3A_423 : memref<64xf32, #tpu.memory_space<hbm>>) target(%dma_start3A_420 : memref<64xf32, #tpu.memory_space<vmem>>) target_semaphore(%arg9 : memref<!tpu.dma_semaphore, #tpu.memory_space<semaphore_mem>>)
      %slice3A_424 = vector.extract_strided_slice %get3A_142 {offsets = [13], sizes = [1], strides = [1]} : vector<16xi32> to vector<1xi32>
      %squeeze3A_425 = vector.extract %slice3A_424[0] : i32 from vector<1xi32>
      %shift_right_arithmetic3A_426 = arith.constant 3 : i32
      %shift_right_arithmetic3A_427 = arith.shrsi %squeeze3A_425, %shift_right_arithmetic3A_426 : i32
      %and3A_428 = arith.constant 7 : i32
      %and3A_429 = arith.andi %squeeze3A_425, %and3A_428 : i32
      %mul3A_430 = arith.constant 16 : i32
      %mul3A_431 = arith.muli %scan3A_137, %mul3A_430 : i32
      %add3A_432 = arith.constant 13 : i32
      %add3A_433 = arith.addi %mul3A_431, %add3A_432 : i32
      %dma_start3A_434 = arith.constant 0 : i32
      %dma_start3A_435 = tpu.memref_slice %arg7[%add3A_433, %dma_start3A_434] : memref<512x64xf32, #tpu.memory_space<vmem>> -> memref<1x64xf32, #tpu.memory_space<vmem>>
      %dma_start3A_436 = tpu.memref_squeeze %dma_start3A_435 : memref<1x64xf32, #tpu.memory_space<vmem>> -> memref<64xf32, #tpu.memory_space<vmem>>
      %dma_start3A_437 = arith.constant 0 : i32
      %dma_start3A_438 = tpu.memref_slice %arg3[%shift_right_arithmetic3A_427, %and3A_429, %dma_start3A_437] : memref<125000x8x64xf32, #tpu.memory_space<hbm>> -> memref<1x1x64xf32, #tpu.memory_space<hbm>>
      %dma_start3A_439 = tpu.memref_squeeze %dma_start3A_438 : memref<1x1x64xf32, #tpu.memory_space<hbm>> -> memref<64xf32, #tpu.memory_space<hbm>>
      %dma_start3A_440 = arith.constant 0 : i32
      %dma_start3A_441 = tpu.memref_slice %arg7[%add3A_433, %dma_start3A_440] : memref<512x64xf32, #tpu.memory_space<vmem>> -> memref<1x64xf32, #tpu.memory_space<vmem>>
      %dma_start3A_442 = tpu.memref_squeeze %dma_start3A_441 : memref<1x64xf32, #tpu.memory_space<vmem>> -> memref<64xf32, #tpu.memory_space<vmem>>
      %dma_start3A_443 = arith.constant 0 : i32
      %dma_start3A_444 = tpu.memref_slice %arg3[%shift_right_arithmetic3A_427, %and3A_429, %dma_start3A_443] : memref<125000x8x64xf32, #tpu.memory_space<hbm>> -> memref<1x1x64xf32, #tpu.memory_space<hbm>>
      %dma_start3A_445 = tpu.memref_squeeze %dma_start3A_444 : memref<1x1x64xf32, #tpu.memory_space<hbm>> -> memref<64xf32, #tpu.memory_space<hbm>>
      tpu.enqueue_dma source(%dma_start3A_445 : memref<64xf32, #tpu.memory_space<hbm>>) target(%dma_start3A_442 : memref<64xf32, #tpu.memory_space<vmem>>) target_semaphore(%arg9 : memref<!tpu.dma_semaphore, #tpu.memory_space<semaphore_mem>>)
      %slice3A_446 = vector.extract_strided_slice %get3A_142 {offsets = [14], sizes = [1], strides = [1]} : vector<16xi32> to vector<1xi32>
      %squeeze3A_447 = vector.extract %slice3A_446[0] : i32 from vector<1xi32>
      %shift_right_arithmetic3A_448 = arith.constant 3 : i32
      %shift_right_arithmetic3A_449 = arith.shrsi %squeeze3A_447, %shift_right_arithmetic3A_448 : i32
      %and3A_450 = arith.constant 7 : i32
      %and3A_451 = arith.andi %squeeze3A_447, %and3A_450 : i32
      %mul3A_452 = arith.constant 16 : i32
      %mul3A_453 = arith.muli %scan3A_137, %mul3A_452 : i32
      %add3A_454 = arith.constant 14 : i32
      %add3A_455 = arith.addi %mul3A_453, %add3A_454 : i32
      %dma_start3A_456 = arith.constant 0 : i32
      %dma_start3A_457 = tpu.memref_slice %arg7[%add3A_455, %dma_start3A_456] : memref<512x64xf32, #tpu.memory_space<vmem>> -> memref<1x64xf32, #tpu.memory_space<vmem>>
      %dma_start3A_458 = tpu.memref_squeeze %dma_start3A_457 : memref<1x64xf32, #tpu.memory_space<vmem>> -> memref<64xf32, #tpu.memory_space<vmem>>
      %dma_start3A_459 = arith.constant 0 : i32
      %dma_start3A_460 = tpu.memref_slice %arg3[%shift_right_arithmetic3A_449, %and3A_451, %dma_start3A_459] : memref<125000x8x64xf32, #tpu.memory_space<hbm>> -> memref<1x1x64xf32, #tpu.memory_space<hbm>>
      %dma_start3A_461 = tpu.memref_squeeze %dma_start3A_460 : memref<1x1x64xf32, #tpu.memory_space<hbm>> -> memref<64xf32, #tpu.memory_space<hbm>>
      %dma_start3A_462 = arith.constant 0 : i32
      %dma_start3A_463 = tpu.memref_slice %arg7[%add3A_455, %dma_start3A_462] : memref<512x64xf32, #tpu.memory_space<vmem>> -> memref<1x64xf32, #tpu.memory_space<vmem>>
      %dma_start3A_464 = tpu.memref_squeeze %dma_start3A_463 : memref<1x64xf32, #tpu.memory_space<vmem>> -> memref<64xf32, #tpu.memory_space<vmem>>
      %dma_start3A_465 = arith.constant 0 : i32
      %dma_start3A_466 = tpu.memref_slice %arg3[%shift_right_arithmetic3A_449, %and3A_451, %dma_start3A_465] : memref<125000x8x64xf32, #tpu.memory_space<hbm>> -> memref<1x1x64xf32, #tpu.memory_space<hbm>>
      %dma_start3A_467 = tpu.memref_squeeze %dma_start3A_466 : memref<1x1x64xf32, #tpu.memory_space<hbm>> -> memref<64xf32, #tpu.memory_space<hbm>>
      tpu.enqueue_dma source(%dma_start3A_467 : memref<64xf32, #tpu.memory_space<hbm>>) target(%dma_start3A_464 : memref<64xf32, #tpu.memory_space<vmem>>) target_semaphore(%arg9 : memref<!tpu.dma_semaphore, #tpu.memory_space<semaphore_mem>>)
      %slice3A_468 = vector.extract_strided_slice %get3A_142 {offsets = [15], sizes = [1], strides = [1]} : vector<16xi32> to vector<1xi32>
      %squeeze3A_469 = vector.extract %slice3A_468[0] : i32 from vector<1xi32>
      %shift_right_arithmetic3A_470 = arith.constant 3 : i32
      %shift_right_arithmetic3A_471 = arith.shrsi %squeeze3A_469, %shift_right_arithmetic3A_470 : i32
      %and3A_472 = arith.constant 7 : i32
      %and3A_473 = arith.andi %squeeze3A_469, %and3A_472 : i32
      %mul3A_474 = arith.constant 16 : i32
      %mul3A_475 = arith.muli %scan3A_137, %mul3A_474 : i32
      %add3A_476 = arith.constant 15 : i32
      %add3A_477 = arith.addi %mul3A_475, %add3A_476 : i32
      %dma_start3A_478 = arith.constant 0 : i32
      %dma_start3A_479 = tpu.memref_slice %arg7[%add3A_477, %dma_start3A_478] : memref<512x64xf32, #tpu.memory_space<vmem>> -> memref<1x64xf32, #tpu.memory_space<vmem>>
      %dma_start3A_480 = tpu.memref_squeeze %dma_start3A_479 : memref<1x64xf32, #tpu.memory_space<vmem>> -> memref<64xf32, #tpu.memory_space<vmem>>
      %dma_start3A_481 = arith.constant 0 : i32
      %dma_start3A_482 = tpu.memref_slice %arg3[%shift_right_arithmetic3A_471, %and3A_473, %dma_start3A_481] : memref<125000x8x64xf32, #tpu.memory_space<hbm>> -> memref<1x1x64xf32, #tpu.memory_space<hbm>>
      %dma_start3A_483 = tpu.memref_squeeze %dma_start3A_482 : memref<1x1x64xf32, #tpu.memory_space<hbm>> -> memref<64xf32, #tpu.memory_space<hbm>>
      %dma_start3A_484 = arith.constant 0 : i32
      %dma_start3A_485 = tpu.memref_slice %arg7[%add3A_477, %dma_start3A_484] : memref<512x64xf32, #tpu.memory_space<vmem>> -> memref<1x64xf32, #tpu.memory_space<vmem>>
      %dma_start3A_486 = tpu.memref_squeeze %dma_start3A_485 : memref<1x64xf32, #tpu.memory_space<vmem>> -> memref<64xf32, #tpu.memory_space<vmem>>
      %dma_start3A_487 = arith.constant 0 : i32
      %dma_start3A_488 = tpu.memref_slice %arg3[%shift_right_arithmetic3A_471, %and3A_473, %dma_start3A_487] : memref<125000x8x64xf32, #tpu.memory_space<hbm>> -> memref<1x1x64xf32, #tpu.memory_space<hbm>>
      %dma_start3A_489 = tpu.memref_squeeze %dma_start3A_488 : memref<1x1x64xf32, #tpu.memory_space<hbm>> -> memref<64xf32, #tpu.memory_space<hbm>>
      tpu.enqueue_dma source(%dma_start3A_489 : memref<64xf32, #tpu.memory_space<hbm>>) target(%dma_start3A_486 : memref<64xf32, #tpu.memory_space<vmem>>) target_semaphore(%arg9 : memref<!tpu.dma_semaphore, #tpu.memory_space<semaphore_mem>>)
      %ge3A = arith.constant 4 : i32
      %ge3A_490 = arith.cmpi sge, %scan3A_137, %ge3A : i32
      %convert_element_type3A = arith.extui %ge3A_490 : i1 to i32
      %cond3A = arith.constant 0 : i32
      %cond3A_491 = arith.cmpi ne, %convert_element_type3A, %cond3A : i32
      scf.if %cond3A_491 {
        %dma_wait3A_492 = arith.constant 0 : i32
        %dma_wait3A_493 = arith.constant 0 : i32
        %dma_wait3A_494 = arith.constant 0 : i32
        %dma_wait3A_495 = tpu.memref_slice %arg7[%dma_wait3A_493, %dma_wait3A_494] : memref<512x64xf32, #tpu.memory_space<vmem>> -> memref<8x64xf32, #tpu.memory_space<vmem>>
        %dma_wait3A_496 = arith.constant 0 : i32
        %dma_wait3A_497 = arith.constant 0 : i32
        %dma_wait3A_498 = tpu.memref_slice %arg3[%dma_wait3A_492, %dma_wait3A_496, %dma_wait3A_497] : memref<125000x8x64xf32, #tpu.memory_space<hbm>> -> memref<1x8x64xf32, #tpu.memory_space<hbm>>
        %dma_wait3A_499 = tpu.memref_squeeze %dma_wait3A_498 : memref<1x8x64xf32, #tpu.memory_space<hbm>> -> memref<8x64xf32, #tpu.memory_space<hbm>>
        %dma_wait3A_500 = arith.constant 0 : i32
        %dma_wait3A_501 = arith.constant 0 : i32
        %dma_wait3A_502 = tpu.memref_slice %arg7[%dma_wait3A_500, %dma_wait3A_501] : memref<512x64xf32, #tpu.memory_space<vmem>> -> memref<8x64xf32, #tpu.memory_space<vmem>>
        %dma_wait3A_503 = arith.constant 0 : i32
        %dma_wait3A_504 = arith.constant 0 : i32
        %dma_wait3A_505 = tpu.memref_slice %arg3[%dma_wait3A_492, %dma_wait3A_503, %dma_wait3A_504] : memref<125000x8x64xf32, #tpu.memory_space<hbm>> -> memref<1x8x64xf32, #tpu.memory_space<hbm>>
        %dma_wait3A_506 = tpu.memref_squeeze %dma_wait3A_505 : memref<1x8x64xf32, #tpu.memory_space<hbm>> -> memref<8x64xf32, #tpu.memory_space<hbm>>
        tpu.wait_dma2 semaphore(%arg9 : memref<!tpu.dma_semaphore, #tpu.memory_space<semaphore_mem>>) src(%dma_wait3A_506 : memref<8x64xf32, #tpu.memory_space<hbm>>) dst(%dma_wait3A_502 : memref<8x64xf32, #tpu.memory_space<vmem>>)
        %dma_wait3A_507 = arith.constant 0 : i32
        %dma_wait3A_508 = arith.constant 0 : i32
        %dma_wait3A_509 = arith.constant 0 : i32
        %dma_wait3A_510 = tpu.memref_slice %arg7[%dma_wait3A_508, %dma_wait3A_509] : memref<512x64xf32, #tpu.memory_space<vmem>> -> memref<8x64xf32, #tpu.memory_space<vmem>>
        %dma_wait3A_511 = arith.constant 0 : i32
        %dma_wait3A_512 = arith.constant 0 : i32
        %dma_wait3A_513 = tpu.memref_slice %arg3[%dma_wait3A_507, %dma_wait3A_511, %dma_wait3A_512] : memref<125000x8x64xf32, #tpu.memory_space<hbm>> -> memref<1x8x64xf32, #tpu.memory_space<hbm>>
        %dma_wait3A_514 = tpu.memref_squeeze %dma_wait3A_513 : memref<1x8x64xf32, #tpu.memory_space<hbm>> -> memref<8x64xf32, #tpu.memory_space<hbm>>
        %dma_wait3A_515 = arith.constant 0 : i32
        %dma_wait3A_516 = arith.constant 0 : i32
        %dma_wait3A_517 = tpu.memref_slice %arg7[%dma_wait3A_515, %dma_wait3A_516] : memref<512x64xf32, #tpu.memory_space<vmem>> -> memref<8x64xf32, #tpu.memory_space<vmem>>
        %dma_wait3A_518 = arith.constant 0 : i32
        %dma_wait3A_519 = arith.constant 0 : i32
        %dma_wait3A_520 = tpu.memref_slice %arg3[%dma_wait3A_507, %dma_wait3A_518, %dma_wait3A_519] : memref<125000x8x64xf32, #tpu.memory_space<hbm>> -> memref<1x8x64xf32, #tpu.memory_space<hbm>>
        %dma_wait3A_521 = tpu.memref_squeeze %dma_wait3A_520 : memref<1x8x64xf32, #tpu.memory_space<hbm>> -> memref<8x64xf32, #tpu.memory_space<hbm>>
        tpu.wait_dma2 semaphore(%arg9 : memref<!tpu.dma_semaphore, #tpu.memory_space<semaphore_mem>>) src(%dma_wait3A_521 : memref<8x64xf32, #tpu.memory_space<hbm>>) dst(%dma_wait3A_517 : memref<8x64xf32, #tpu.memory_space<vmem>>)
      } else {
      }
    }
    %scan3A_7 = arith.constant 32 : i32
    %dma_wait3A = arith.constant 0 : i32
    %dma_wait3A_8 = arith.constant 0 : i32
    %dma_wait3A_9 = arith.constant 0 : i32
    %dma_wait3A_10 = tpu.memref_slice %arg7[%dma_wait3A_8, %dma_wait3A_9] : memref<512x64xf32, #tpu.memory_space<vmem>> -> memref<8x64xf32, #tpu.memory_space<vmem>>
    %dma_wait3A_11 = arith.constant 0 : i32
    %dma_wait3A_12 = arith.constant 0 : i32
    %dma_wait3A_13 = tpu.memref_slice %arg3[%dma_wait3A, %dma_wait3A_11, %dma_wait3A_12] : memref<125000x8x64xf32, #tpu.memory_space<hbm>> -> memref<1x8x64xf32, #tpu.memory_space<hbm>>
    %dma_wait3A_14 = tpu.memref_squeeze %dma_wait3A_13 : memref<1x8x64xf32, #tpu.memory_space<hbm>> -> memref<8x64xf32, #tpu.memory_space<hbm>>
    %dma_wait3A_15 = arith.constant 0 : i32
    %dma_wait3A_16 = arith.constant 0 : i32
    %dma_wait3A_17 = tpu.memref_slice %arg7[%dma_wait3A_15, %dma_wait3A_16] : memref<512x64xf32, #tpu.memory_space<vmem>> -> memref<8x64xf32, #tpu.memory_space<vmem>>
    %dma_wait3A_18 = arith.constant 0 : i32
    %dma_wait3A_19 = arith.constant 0 : i32
    %dma_wait3A_20 = tpu.memref_slice %arg3[%dma_wait3A, %dma_wait3A_18, %dma_wait3A_19] : memref<125000x8x64xf32, #tpu.memory_space<hbm>> -> memref<1x8x64xf32, #tpu.memory_space<hbm>>
    %dma_wait3A_21 = tpu.memref_squeeze %dma_wait3A_20 : memref<1x8x64xf32, #tpu.memory_space<hbm>> -> memref<8x64xf32, #tpu.memory_space<hbm>>
    tpu.wait_dma2 semaphore(%arg9 : memref<!tpu.dma_semaphore, #tpu.memory_space<semaphore_mem>>) src(%dma_wait3A_21 : memref<8x64xf32, #tpu.memory_space<hbm>>) dst(%dma_wait3A_17 : memref<8x64xf32, #tpu.memory_space<vmem>>)
    %dma_wait3A_22 = arith.constant 0 : i32
    %dma_wait3A_23 = arith.constant 0 : i32
    %dma_wait3A_24 = arith.constant 0 : i32
    %dma_wait3A_25 = tpu.memref_slice %arg7[%dma_wait3A_23, %dma_wait3A_24] : memref<512x64xf32, #tpu.memory_space<vmem>> -> memref<8x64xf32, #tpu.memory_space<vmem>>
    %dma_wait3A_26 = arith.constant 0 : i32
    %dma_wait3A_27 = arith.constant 0 : i32
    %dma_wait3A_28 = tpu.memref_slice %arg3[%dma_wait3A_22, %dma_wait3A_26, %dma_wait3A_27] : memref<125000x8x64xf32, #tpu.memory_space<hbm>> -> memref<1x8x64xf32, #tpu.memory_space<hbm>>
    %dma_wait3A_29 = tpu.memref_squeeze %dma_wait3A_28 : memref<1x8x64xf32, #tpu.memory_space<hbm>> -> memref<8x64xf32, #tpu.memory_space<hbm>>
    %dma_wait3A_30 = arith.constant 0 : i32
    %dma_wait3A_31 = arith.constant 0 : i32
    %dma_wait3A_32 = tpu.memref_slice %arg7[%dma_wait3A_30, %dma_wait3A_31] : memref<512x64xf32, #tpu.memory_space<vmem>> -> memref<8x64xf32, #tpu.memory_space<vmem>>
    %dma_wait3A_33 = arith.constant 0 : i32
    %dma_wait3A_34 = arith.constant 0 : i32
    %dma_wait3A_35 = tpu.memref_slice %arg3[%dma_wait3A_22, %dma_wait3A_33, %dma_wait3A_34] : memref<125000x8x64xf32, #tpu.memory_space<hbm>> -> memref<1x8x64xf32, #tpu.memory_space<hbm>>
    %dma_wait3A_36 = tpu.memref_squeeze %dma_wait3A_35 : memref<1x8x64xf32, #tpu.memory_space<hbm>> -> memref<8x64xf32, #tpu.memory_space<hbm>>
    tpu.wait_dma2 semaphore(%arg9 : memref<!tpu.dma_semaphore, #tpu.memory_space<semaphore_mem>>) src(%dma_wait3A_36 : memref<8x64xf32, #tpu.memory_space<hbm>>) dst(%dma_wait3A_32 : memref<8x64xf32, #tpu.memory_space<vmem>>)
    %dma_wait3A_37 = arith.constant 0 : i32
    %dma_wait3A_38 = arith.constant 0 : i32
    %dma_wait3A_39 = arith.constant 0 : i32
    %dma_wait3A_40 = tpu.memref_slice %arg7[%dma_wait3A_38, %dma_wait3A_39] : memref<512x64xf32, #tpu.memory_space<vmem>> -> memref<8x64xf32, #tpu.memory_space<vmem>>
    %dma_wait3A_41 = arith.constant 0 : i32
    %dma_wait3A_42 = arith.constant 0 : i32
    %dma_wait3A_43 = tpu.memref_slice %arg3[%dma_wait3A_37, %dma_wait3A_41, %dma_wait3A_42] : memref<125000x8x64xf32, #tpu.memory_space<hbm>> -> memref<1x8x64xf32, #tpu.memory_space<hbm>>
    %dma_wait3A_44 = tpu.memref_squeeze %dma_wait3A_43 : memref<1x8x64xf32, #tpu.memory_space<hbm>> -> memref<8x64xf32, #tpu.memory_space<hbm>>
    %dma_wait3A_45 = arith.constant 0 : i32
    %dma_wait3A_46 = arith.constant 0 : i32
    %dma_wait3A_47 = tpu.memref_slice %arg7[%dma_wait3A_45, %dma_wait3A_46] : memref<512x64xf32, #tpu.memory_space<vmem>> -> memref<8x64xf32, #tpu.memory_space<vmem>>
    %dma_wait3A_48 = arith.constant 0 : i32
    %dma_wait3A_49 = arith.constant 0 : i32
    %dma_wait3A_50 = tpu.memref_slice %arg3[%dma_wait3A_37, %dma_wait3A_48, %dma_wait3A_49] : memref<125000x8x64xf32, #tpu.memory_space<hbm>> -> memref<1x8x64xf32, #tpu.memory_space<hbm>>
    %dma_wait3A_51 = tpu.memref_squeeze %dma_wait3A_50 : memref<1x8x64xf32, #tpu.memory_space<hbm>> -> memref<8x64xf32, #tpu.memory_space<hbm>>
    tpu.wait_dma2 semaphore(%arg9 : memref<!tpu.dma_semaphore, #tpu.memory_space<semaphore_mem>>) src(%dma_wait3A_51 : memref<8x64xf32, #tpu.memory_space<hbm>>) dst(%dma_wait3A_47 : memref<8x64xf32, #tpu.memory_space<vmem>>)
    %dma_wait3A_52 = arith.constant 0 : i32
    %dma_wait3A_53 = arith.constant 0 : i32
    %dma_wait3A_54 = arith.constant 0 : i32
    %dma_wait3A_55 = tpu.memref_slice %arg7[%dma_wait3A_53, %dma_wait3A_54] : memref<512x64xf32, #tpu.memory_space<vmem>> -> memref<8x64xf32, #tpu.memory_space<vmem>>
    %dma_wait3A_56 = arith.constant 0 : i32
    %dma_wait3A_57 = arith.constant 0 : i32
    %dma_wait3A_58 = tpu.memref_slice %arg3[%dma_wait3A_52, %dma_wait3A_56, %dma_wait3A_57] : memref<125000x8x64xf32, #tpu.memory_space<hbm>> -> memref<1x8x64xf32, #tpu.memory_space<hbm>>
    %dma_wait3A_59 = tpu.memref_squeeze %dma_wait3A_58 : memref<1x8x64xf32, #tpu.memory_space<hbm>> -> memref<8x64xf32, #tpu.memory_space<hbm>>
    %dma_wait3A_60 = arith.constant 0 : i32
    %dma_wait3A_61 = arith.constant 0 : i32
    %dma_wait3A_62 = tpu.memref_slice %arg7[%dma_wait3A_60, %dma_wait3A_61] : memref<512x64xf32, #tpu.memory_space<vmem>> -> memref<8x64xf32, #tpu.memory_space<vmem>>
    %dma_wait3A_63 = arith.constant 0 : i32
    %dma_wait3A_64 = arith.constant 0 : i32
    %dma_wait3A_65 = tpu.memref_slice %arg3[%dma_wait3A_52, %dma_wait3A_63, %dma_wait3A_64] : memref<125000x8x64xf32, #tpu.memory_space<hbm>> -> memref<1x8x64xf32, #tpu.memory_space<hbm>>
    %dma_wait3A_66 = tpu.memref_squeeze %dma_wait3A_65 : memref<1x8x64xf32, #tpu.memory_space<hbm>> -> memref<8x64xf32, #tpu.memory_space<hbm>>
    tpu.wait_dma2 semaphore(%arg9 : memref<!tpu.dma_semaphore, #tpu.memory_space<semaphore_mem>>) src(%dma_wait3A_66 : memref<8x64xf32, #tpu.memory_space<hbm>>) dst(%dma_wait3A_62 : memref<8x64xf32, #tpu.memory_space<vmem>>)
    %dma_wait3A_67 = arith.constant 0 : i32
    %dma_wait3A_68 = arith.constant 0 : i32
    %dma_wait3A_69 = arith.constant 0 : i32
    %dma_wait3A_70 = tpu.memref_slice %arg7[%dma_wait3A_68, %dma_wait3A_69] : memref<512x64xf32, #tpu.memory_space<vmem>> -> memref<8x64xf32, #tpu.memory_space<vmem>>
    %dma_wait3A_71 = arith.constant 0 : i32
    %dma_wait3A_72 = arith.constant 0 : i32
    %dma_wait3A_73 = tpu.memref_slice %arg3[%dma_wait3A_67, %dma_wait3A_71, %dma_wait3A_72] : memref<125000x8x64xf32, #tpu.memory_space<hbm>> -> memref<1x8x64xf32, #tpu.memory_space<hbm>>
    %dma_wait3A_74 = tpu.memref_squeeze %dma_wait3A_73 : memref<1x8x64xf32, #tpu.memory_space<hbm>> -> memref<8x64xf32, #tpu.memory_space<hbm>>
    %dma_wait3A_75 = arith.constant 0 : i32
    %dma_wait3A_76 = arith.constant 0 : i32
    %dma_wait3A_77 = tpu.memref_slice %arg7[%dma_wait3A_75, %dma_wait3A_76] : memref<512x64xf32, #tpu.memory_space<vmem>> -> memref<8x64xf32, #tpu.memory_space<vmem>>
    %dma_wait3A_78 = arith.constant 0 : i32
    %dma_wait3A_79 = arith.constant 0 : i32
    %dma_wait3A_80 = tpu.memref_slice %arg3[%dma_wait3A_67, %dma_wait3A_78, %dma_wait3A_79] : memref<125000x8x64xf32, #tpu.memory_space<hbm>> -> memref<1x8x64xf32, #tpu.memory_space<hbm>>
    %dma_wait3A_81 = tpu.memref_squeeze %dma_wait3A_80 : memref<1x8x64xf32, #tpu.memory_space<hbm>> -> memref<8x64xf32, #tpu.memory_space<hbm>>
    tpu.wait_dma2 semaphore(%arg9 : memref<!tpu.dma_semaphore, #tpu.memory_space<semaphore_mem>>) src(%dma_wait3A_81 : memref<8x64xf32, #tpu.memory_space<hbm>>) dst(%dma_wait3A_77 : memref<8x64xf32, #tpu.memory_space<vmem>>)
    %dma_wait3A_82 = arith.constant 0 : i32
    %dma_wait3A_83 = arith.constant 0 : i32
    %dma_wait3A_84 = arith.constant 0 : i32
    %dma_wait3A_85 = tpu.memref_slice %arg7[%dma_wait3A_83, %dma_wait3A_84] : memref<512x64xf32, #tpu.memory_space<vmem>> -> memref<8x64xf32, #tpu.memory_space<vmem>>
    %dma_wait3A_86 = arith.constant 0 : i32
    %dma_wait3A_87 = arith.constant 0 : i32
    %dma_wait3A_88 = tpu.memref_slice %arg3[%dma_wait3A_82, %dma_wait3A_86, %dma_wait3A_87] : memref<125000x8x64xf32, #tpu.memory_space<hbm>> -> memref<1x8x64xf32, #tpu.memory_space<hbm>>
    %dma_wait3A_89 = tpu.memref_squeeze %dma_wait3A_88 : memref<1x8x64xf32, #tpu.memory_space<hbm>> -> memref<8x64xf32, #tpu.memory_space<hbm>>
    %dma_wait3A_90 = arith.constant 0 : i32
    %dma_wait3A_91 = arith.constant 0 : i32
    %dma_wait3A_92 = tpu.memref_slice %arg7[%dma_wait3A_90, %dma_wait3A_91] : memref<512x64xf32, #tpu.memory_space<vmem>> -> memref<8x64xf32, #tpu.memory_space<vmem>>
    %dma_wait3A_93 = arith.constant 0 : i32
    %dma_wait3A_94 = arith.constant 0 : i32
    %dma_wait3A_95 = tpu.memref_slice %arg3[%dma_wait3A_82, %dma_wait3A_93, %dma_wait3A_94] : memref<125000x8x64xf32, #tpu.memory_space<hbm>> -> memref<1x8x64xf32, #tpu.memory_space<hbm>>
    %dma_wait3A_96 = tpu.memref_squeeze %dma_wait3A_95 : memref<1x8x64xf32, #tpu.memory_space<hbm>> -> memref<8x64xf32, #tpu.memory_space<hbm>>
    tpu.wait_dma2 semaphore(%arg9 : memref<!tpu.dma_semaphore, #tpu.memory_space<semaphore_mem>>) src(%dma_wait3A_96 : memref<8x64xf32, #tpu.memory_space<hbm>>) dst(%dma_wait3A_92 : memref<8x64xf32, #tpu.memory_space<vmem>>)
    %dma_wait3A_97 = arith.constant 0 : i32
    %dma_wait3A_98 = arith.constant 0 : i32
    %dma_wait3A_99 = arith.constant 0 : i32
    %dma_wait3A_100 = tpu.memref_slice %arg7[%dma_wait3A_98, %dma_wait3A_99] : memref<512x64xf32, #tpu.memory_space<vmem>> -> memref<8x64xf32, #tpu.memory_space<vmem>>
    %dma_wait3A_101 = arith.constant 0 : i32
    %dma_wait3A_102 = arith.constant 0 : i32
    %dma_wait3A_103 = tpu.memref_slice %arg3[%dma_wait3A_97, %dma_wait3A_101, %dma_wait3A_102] : memref<125000x8x64xf32, #tpu.memory_space<hbm>> -> memref<1x8x64xf32, #tpu.memory_space<hbm>>
    %dma_wait3A_104 = tpu.memref_squeeze %dma_wait3A_103 : memref<1x8x64xf32, #tpu.memory_space<hbm>> -> memref<8x64xf32, #tpu.memory_space<hbm>>
    %dma_wait3A_105 = arith.constant 0 : i32
    %dma_wait3A_106 = arith.constant 0 : i32
    %dma_wait3A_107 = tpu.memref_slice %arg7[%dma_wait3A_105, %dma_wait3A_106] : memref<512x64xf32, #tpu.memory_space<vmem>> -> memref<8x64xf32, #tpu.memory_space<vmem>>
    %dma_wait3A_108 = arith.constant 0 : i32
    %dma_wait3A_109 = arith.constant 0 : i32
    %dma_wait3A_110 = tpu.memref_slice %arg3[%dma_wait3A_97, %dma_wait3A_108, %dma_wait3A_109] : memref<125000x8x64xf32, #tpu.memory_space<hbm>> -> memref<1x8x64xf32, #tpu.memory_space<hbm>>
    %dma_wait3A_111 = tpu.memref_squeeze %dma_wait3A_110 : memref<1x8x64xf32, #tpu.memory_space<hbm>> -> memref<8x64xf32, #tpu.memory_space<hbm>>
    tpu.wait_dma2 semaphore(%arg9 : memref<!tpu.dma_semaphore, #tpu.memory_space<semaphore_mem>>) src(%dma_wait3A_111 : memref<8x64xf32, #tpu.memory_space<hbm>>) dst(%dma_wait3A_107 : memref<8x64xf32, #tpu.memory_space<vmem>>)
    %dma_wait3A_112 = arith.constant 0 : i32
    %dma_wait3A_113 = arith.constant 0 : i32
    %dma_wait3A_114 = arith.constant 0 : i32
    %dma_wait3A_115 = tpu.memref_slice %arg7[%dma_wait3A_113, %dma_wait3A_114] : memref<512x64xf32, #tpu.memory_space<vmem>> -> memref<8x64xf32, #tpu.memory_space<vmem>>
    %dma_wait3A_116 = arith.constant 0 : i32
    %dma_wait3A_117 = arith.constant 0 : i32
    %dma_wait3A_118 = tpu.memref_slice %arg3[%dma_wait3A_112, %dma_wait3A_116, %dma_wait3A_117] : memref<125000x8x64xf32, #tpu.memory_space<hbm>> -> memref<1x8x64xf32, #tpu.memory_space<hbm>>
    %dma_wait3A_119 = tpu.memref_squeeze %dma_wait3A_118 : memref<1x8x64xf32, #tpu.memory_space<hbm>> -> memref<8x64xf32, #tpu.memory_space<hbm>>
    %dma_wait3A_120 = arith.constant 0 : i32
    %dma_wait3A_121 = arith.constant 0 : i32
    %dma_wait3A_122 = tpu.memref_slice %arg7[%dma_wait3A_120, %dma_wait3A_121] : memref<512x64xf32, #tpu.memory_space<vmem>> -> memref<8x64xf32, #tpu.memory_space<vmem>>
    %dma_wait3A_123 = arith.constant 0 : i32
    %dma_wait3A_124 = arith.constant 0 : i32
    %dma_wait3A_125 = tpu.memref_slice %arg3[%dma_wait3A_112, %dma_wait3A_123, %dma_wait3A_124] : memref<125000x8x64xf32, #tpu.memory_space<hbm>> -> memref<1x8x64xf32, #tpu.memory_space<hbm>>
    %dma_wait3A_126 = tpu.memref_squeeze %dma_wait3A_125 : memref<1x8x64xf32, #tpu.memory_space<hbm>> -> memref<8x64xf32, #tpu.memory_space<hbm>>
    tpu.wait_dma2 semaphore(%arg9 : memref<!tpu.dma_semaphore, #tpu.memory_space<semaphore_mem>>) src(%dma_wait3A_126 : memref<8x64xf32, #tpu.memory_space<hbm>>) dst(%dma_wait3A_122 : memref<8x64xf32, #tpu.memory_space<vmem>>)
    %get3A = arith.constant 0 : index
    %get3A_127 = tpu.vector_load %arg8[%get3A] {strides = array<i32>} : memref<16xf32, #tpu.memory_space<vmem>>, vector<16xf32>,
    %get3A_128 = vector.shape_cast %get3A_127 : vector<16xf32> to vector<16xf32>
    %iota3A = tpu.iota {dimensions = array<i32: 0>} : vector<16xi32>
    %lt3A = arith.constant 8 : i32
    %lt3A_129 = vector.broadcast %lt3A : i32 to vector<16xi32>
    %lt3A_130 = arith.cmpi slt, %iota3A, %lt3A_129 : vector<16xi32>
    %scan3A_131 = arith.constant 0 : i32
    %scan3A_132 = arith.constant 0 : i32
    %scan3A_133 = arith.constant 512 : i32
    %scan3A_134 = arith.addi %scan3A_132, %scan3A_133 : i32
    %scan3A_135 = arith.constant 8 : i32
    scf.for %scan3A_137 = %scan3A_132 to %scan3A_134 step %scan3A_135  : i32 {
      %get3A_138 = arith.index_cast %scan3A_137 : i32 to index
      %get3A_139 = arith.constant 0 : index
      %get3A_140 = tpu.vector_load %arg7[%get3A_138, %get3A_139] {strides = array<i32>} : memref<512x64xf32, #tpu.memory_space<vmem>>, vector<1x16xf32>,
      %get3A_141 = vector.shape_cast %get3A_140 : vector<1x16xf32> to vector<16xf32>
      %select_n3A = arith.select %lt3A_130, %get3A_128, %get3A_141 : vector<16xi1>, vector<16xf32>
      %swap3A = arith.index_cast %scan3A_137 : i32 to index
      %swap3A_142 = arith.constant 0 : index
      %swap3A_143 = tpu.vector_load %arg7[%swap3A, %swap3A_142] {strides = array<i32>} : memref<512x64xf32, #tpu.memory_space<vmem>>, vector<1x16xf32>,
      %swap3A_144 = vector.shape_cast %swap3A_143 : vector<1x16xf32> to vector<16xf32>
      %swap3A_145 = vector.shape_cast %select_n3A : vector<16xf32> to vector<1x16xf32>
      tpu.vector_store %arg7[%swap3A, %swap3A_142], %swap3A_145 {strides = array<i32>} : memref<512x64xf32, #tpu.memory_space<vmem>>, vector<1x16xf32>,
      %scan3A_146 = arith.constant 1 : i32
      %scan3A_147 = arith.addi %scan3A_137, %scan3A_146 : i32
      %get3A_148 = arith.index_cast %scan3A_147 : i32 to index
      %get3A_149 = arith.constant 0 : index
      %get3A_150 = tpu.vector_load %arg7[%get3A_148, %get3A_149] {strides = array<i32>} : memref<512x64xf32, #tpu.memory_space<vmem>>, vector<1x16xf32>,
      %get3A_151 = vector.shape_cast %get3A_150 : vector<1x16xf32> to vector<16xf32>
      %select_n3A_152 = arith.select %lt3A_130, %get3A_128, %get3A_151 : vector<16xi1>, vector<16xf32>
      %swap3A_153 = arith.index_cast %scan3A_147 : i32 to index
      %swap3A_154 = arith.constant 0 : index
      %swap3A_155 = tpu.vector_load %arg7[%swap3A_153, %swap3A_154] {strides = array<i32>} : memref<512x64xf32, #tpu.memory_space<vmem>>, vector<1x16xf32>,
      %swap3A_156 = vector.shape_cast %swap3A_155 : vector<1x16xf32> to vector<16xf32>
      %swap3A_157 = vector.shape_cast %select_n3A_152 : vector<16xf32> to vector<1x16xf32>
      tpu.vector_store %arg7[%swap3A_153, %swap3A_154], %swap3A_157 {strides = array<i32>} : memref<512x64xf32, #tpu.memory_space<vmem>>, vector<1x16xf32>,
      %scan3A_158 = arith.constant 2 : i32
      %scan3A_159 = arith.addi %scan3A_137, %scan3A_158 : i32
      %get3A_160 = arith.index_cast %scan3A_159 : i32 to index
      %get3A_161 = arith.constant 0 : index
      %get3A_162 = tpu.vector_load %arg7[%get3A_160, %get3A_161] {strides = array<i32>} : memref<512x64xf32, #tpu.memory_space<vmem>>, vector<1x16xf32>,
      %get3A_163 = vector.shape_cast %get3A_162 : vector<1x16xf32> to vector<16xf32>
      %select_n3A_164 = arith.select %lt3A_130, %get3A_128, %get3A_163 : vector<16xi1>, vector<16xf32>
      %swap3A_165 = arith.index_cast %scan3A_159 : i32 to index
      %swap3A_166 = arith.constant 0 : index
      %swap3A_167 = tpu.vector_load %arg7[%swap3A_165, %swap3A_166] {strides = array<i32>} : memref<512x64xf32, #tpu.memory_space<vmem>>, vector<1x16xf32>,
      %swap3A_168 = vector.shape_cast %swap3A_167 : vector<1x16xf32> to vector<16xf32>
      %swap3A_169 = vector.shape_cast %select_n3A_164 : vector<16xf32> to vector<1x16xf32>
      tpu.vector_store %arg7[%swap3A_165, %swap3A_166], %swap3A_169 {strides = array<i32>} : memref<512x64xf32, #tpu.memory_space<vmem>>, vector<1x16xf32>,
      %scan3A_170 = arith.constant 3 : i32
      %scan3A_171 = arith.addi %scan3A_137, %scan3A_170 : i32
      %get3A_172 = arith.index_cast %scan3A_171 : i32 to index
      %get3A_173 = arith.constant 0 : index
      %get3A_174 = tpu.vector_load %arg7[%get3A_172, %get3A_173] {strides = array<i32>} : memref<512x64xf32, #tpu.memory_space<vmem>>, vector<1x16xf32>,
      %get3A_175 = vector.shape_cast %get3A_174 : vector<1x16xf32> to vector<16xf32>
      %select_n3A_176 = arith.select %lt3A_130, %get3A_128, %get3A_175 : vector<16xi1>, vector<16xf32>
      %swap3A_177 = arith.index_cast %scan3A_171 : i32 to index
      %swap3A_178 = arith.constant 0 : index
      %swap3A_179 = tpu.vector_load %arg7[%swap3A_177, %swap3A_178] {strides = array<i32>} : memref<512x64xf32, #tpu.memory_space<vmem>>, vector<1x16xf32>,
      %swap3A_180 = vector.shape_cast %swap3A_179 : vector<1x16xf32> to vector<16xf32>
      %swap3A_181 = vector.shape_cast %select_n3A_176 : vector<16xf32> to vector<1x16xf32>
      tpu.vector_store %arg7[%swap3A_177, %swap3A_178], %swap3A_181 {strides = array<i32>} : memref<512x64xf32, #tpu.memory_space<vmem>>, vector<1x16xf32>,
      %scan3A_182 = arith.constant 4 : i32
      %scan3A_183 = arith.addi %scan3A_137, %scan3A_182 : i32
      %get3A_184 = arith.index_cast %scan3A_183 : i32 to index
      %get3A_185 = arith.constant 0 : index
      %get3A_186 = tpu.vector_load %arg7[%get3A_184, %get3A_185] {strides = array<i32>} : memref<512x64xf32, #tpu.memory_space<vmem>>, vector<1x16xf32>,
      %get3A_187 = vector.shape_cast %get3A_186 : vector<1x16xf32> to vector<16xf32>
      %select_n3A_188 = arith.select %lt3A_130, %get3A_128, %get3A_187 : vector<16xi1>, vector<16xf32>
      %swap3A_189 = arith.index_cast %scan3A_183 : i32 to index
      %swap3A_190 = arith.constant 0 : index
      %swap3A_191 = tpu.vector_load %arg7[%swap3A_189, %swap3A_190] {strides = array<i32>} : memref<512x64xf32, #tpu.memory_space<vmem>>, vector<1x16xf32>,
      %swap3A_192 = vector.shape_cast %swap3A_191 : vector<1x16xf32> to vector<16xf32>
      %swap3A_193 = vector.shape_cast %select_n3A_188 : vector<16xf32> to vector<1x16xf32>
      tpu.vector_store %arg7[%swap3A_189, %swap3A_190], %swap3A_193 {strides = array<i32>} : memref<512x64xf32, #tpu.memory_space<vmem>>, vector<1x16xf32>,
      %scan3A_194 = arith.constant 5 : i32
      %scan3A_195 = arith.addi %scan3A_137, %scan3A_194 : i32
      %get3A_196 = arith.index_cast %scan3A_195 : i32 to index
      %get3A_197 = arith.constant 0 : index
      %get3A_198 = tpu.vector_load %arg7[%get3A_196, %get3A_197] {strides = array<i32>} : memref<512x64xf32, #tpu.memory_space<vmem>>, vector<1x16xf32>,
      %get3A_199 = vector.shape_cast %get3A_198 : vector<1x16xf32> to vector<16xf32>
      %select_n3A_200 = arith.select %lt3A_130, %get3A_128, %get3A_199 : vector<16xi1>, vector<16xf32>
      %swap3A_201 = arith.index_cast %scan3A_195 : i32 to index
      %swap3A_202 = arith.constant 0 : index
      %swap3A_203 = tpu.vector_load %arg7[%swap3A_201, %swap3A_202] {strides = array<i32>} : memref<512x64xf32, #tpu.memory_space<vmem>>, vector<1x16xf32>,
      %swap3A_204 = vector.shape_cast %swap3A_203 : vector<1x16xf32> to vector<16xf32>
      %swap3A_205 = vector.shape_cast %select_n3A_200 : vector<16xf32> to vector<1x16xf32>
      tpu.vector_store %arg7[%swap3A_201, %swap3A_202], %swap3A_205 {strides = array<i32>} : memref<512x64xf32, #tpu.memory_space<vmem>>, vector<1x16xf32>,
      %scan3A_206 = arith.constant 6 : i32
      %scan3A_207 = arith.addi %scan3A_137, %scan3A_206 : i32
      %get3A_208 = arith.index_cast %scan3A_207 : i32 to index
      %get3A_209 = arith.constant 0 : index
      %get3A_210 = tpu.vector_load %arg7[%get3A_208, %get3A_209] {strides = array<i32>} : memref<512x64xf32, #tpu.memory_space<vmem>>, vector<1x16xf32>,
      %get3A_211 = vector.shape_cast %get3A_210 : vector<1x16xf32> to vector<16xf32>
      %select_n3A_212 = arith.select %lt3A_130, %get3A_128, %get3A_211 : vector<16xi1>, vector<16xf32>
      %swap3A_213 = arith.index_cast %scan3A_207 : i32 to index
      %swap3A_214 = arith.constant 0 : index
      %swap3A_215 = tpu.vector_load %arg7[%swap3A_213, %swap3A_214] {strides = array<i32>} : memref<512x64xf32, #tpu.memory_space<vmem>>, vector<1x16xf32>,
      %swap3A_216 = vector.shape_cast %swap3A_215 : vector<1x16xf32> to vector<16xf32>
      %swap3A_217 = vector.shape_cast %select_n3A_212 : vector<16xf32> to vector<1x16xf32>
      tpu.vector_store %arg7[%swap3A_213, %swap3A_214], %swap3A_217 {strides = array<i32>} : memref<512x64xf32, #tpu.memory_space<vmem>>, vector<1x16xf32>,
      %scan3A_218 = arith.constant 7 : i32
      %scan3A_219 = arith.addi %scan3A_137, %scan3A_218 : i32
      %get3A_220 = arith.index_cast %scan3A_219 : i32 to index
      %get3A_221 = arith.constant 0 : index
      %get3A_222 = tpu.vector_load %arg7[%get3A_220, %get3A_221] {strides = array<i32>} : memref<512x64xf32, #tpu.memory_space<vmem>>, vector<1x16xf32>,
      %get3A_223 = vector.shape_cast %get3A_222 : vector<1x16xf32> to vector<16xf32>
      %select_n3A_224 = arith.select %lt3A_130, %get3A_128, %get3A_223 : vector<16xi1>, vector<16xf32>
      %swap3A_225 = arith.index_cast %scan3A_219 : i32 to index
      %swap3A_226 = arith.constant 0 : index
      %swap3A_227 = tpu.vector_load %arg7[%swap3A_225, %swap3A_226] {strides = array<i32>} : memref<512x64xf32, #tpu.memory_space<vmem>>, vector<1x16xf32>,
      %swap3A_228 = vector.shape_cast %swap3A_227 : vector<1x16xf32> to vector<16xf32>
      %swap3A_229 = vector.shape_cast %select_n3A_224 : vector<16xf32> to vector<1x16xf32>
      tpu.vector_store %arg7[%swap3A_225, %swap3A_226], %swap3A_229 {strides = array<i32>} : memref<512x64xf32, #tpu.memory_space<vmem>>, vector<1x16xf32>,
    }
    %scan3A_136 = arith.constant 512 : i32
    "tpu.region"() ({
      %run_scoped3A = tpu.sem_alloc : memref<!tpu.dma_semaphore, #tpu.memory_space<semaphore_mem>>
      %dma_start3A = arith.constant 0 : i32
      %dma_start3A_137 = tpu.memref_slice %arg5[%mul3A_2, %dma_start3A] : memref<16384x64xf32, #tpu.memory_space<hbm>> -> memref<512x64xf32, #tpu.memory_space<hbm>>
      %dma_start3A_138 = arith.constant 0 : i32
      %dma_start3A_139 = tpu.memref_slice %arg5[%mul3A_2, %dma_start3A_138] : memref<16384x64xf32, #tpu.memory_space<hbm>> -> memref<512x64xf32, #tpu.memory_space<hbm>>
      tpu.enqueue_dma source(%arg7 : memref<512x64xf32, #tpu.memory_space<vmem>>) target(%dma_start3A_139 : memref<512x64xf32, #tpu.memory_space<hbm>>) target_semaphore(%run_scoped3A : memref<!tpu.dma_semaphore, #tpu.memory_space<semaphore_mem>>)
      %dma_wait3A_140 = arith.constant 0 : i32
      %dma_wait3A_141 = tpu.memref_slice %arg5[%mul3A_2, %dma_wait3A_140] : memref<16384x64xf32, #tpu.memory_space<hbm>> -> memref<512x64xf32, #tpu.memory_space<hbm>>
      %dma_wait3A_142 = arith.constant 0 : i32
      %dma_wait3A_143 = tpu.memref_slice %arg5[%mul3A_2, %dma_wait3A_142] : memref<16384x64xf32, #tpu.memory_space<hbm>> -> memref<512x64xf32, #tpu.memory_space<hbm>>
      tpu.wait_dma2 semaphore(%run_scoped3A : memref<!tpu.dma_semaphore, #tpu.memory_space<semaphore_mem>>) src(%arg7 : memref<512x64xf32, #tpu.memory_space<vmem>>) dst(%dma_wait3A_143 : memref<512x64xf32, #tpu.memory_space<hbm>>)
      tpu.yield
    }) : () -> ()
    return
  }
}

</mosaic_0001>

<sc_bundles>
// kernel: kernel.3.cloned.1.call-start
scs
__scs_entry_jumppad:
0x0: {  	(pc) =	sbr.rel $0x88, $3  }
0x1: {  	(tag) =	ssettag $0x0;
	lr =	simm.s32 $0x1  }
0x2: {  	[smem:$0x3F9E] =	sst lr;
	_ =	strace $0xD0000000  }
0x3: {  	_ = 	snop  }
0x4: {  	_ = 	snop  }
0x5: {  	_ = 	snop  }
0x6: {  	_ = 	snop  }
0x7: {  	_ = 	snop  }
__scs_overlays_trampoline_lowered:
0x8: {  	[smem:$0x3FAD] =	sst s0  }
0x9: {  	[smem:$0x3FAE] =	sst s1  }
0xa: {  	[smem:$0x3FAF] =	sst s2  }
0xb: {  	[smem:$0x3FB0] =	sst s3  }
0xc: {  	[smem:$0x3FB1] =	sst s4  }
0xd: {  	[smem:$0x3FB2] =	sst s5  }
0xe: {  	[smem:$0x3FB3] =	sst s6  }
0xf: {  	[smem:$0x3FB4] =	sst s7  }
0x10: {  	[smem:$0x3FB5] =	sst s8  }
0x11: {  	[smem:$0x3FB6] =	sst s9;
	s0 =	simm.s32 @!p0 $0x0  }
0x12: {  	s1 =	sld [smem:$0x3F9C];
	s0 =	simm.s32 @p0 $0x1  }
0x13: {  	[smem:$0x3FB7] =	sst s0;
	s0 =	simm.s32 @!p1 $0x0  }
0x14: {  	s2 =	sld [smem:$0x3F9B];
	s0 =	simm.s32 @p1 $0x1  }
0x15: {  	[smem:$0x3FB8] =	sst s0;
	s0 =	simm.s32 @!p2 $0x0  }
0x16: {  	s3 =	sld [smem:$0x3FDB];
	s0 =	simm.s32 @p2 $0x1  }
0x17: {  	s4 =	simm.s32 $0x1BF5;
	[smem:$0x3FBA] =	sst s0  }
0x18: {  	s0 =	sld [smem:$0x3F9D];
	_ =	swait.ge [sflag:s4], $0x0  }
0x19: {  	s7 =	sld [smem:$0x3F9E]  }
0x1a: {  	s8 =	sadd.s32 $0xFFFFE003, lr  }
0x1b: {  	s9 =	sadd.s32 $0xFFFFFEF7, lr;
	s5 =	simm.s32 $0xFFFFFFFF;
	p2 =	slt.u32 s8, $0xFFFFF086  }
0x1c: {  	p1 =	slt.u32 s9, $0xF7A;
	s5 =	simm.s32 @!p2 $0x0  }
0x1d: {  	s5 =	simm.s32 @p1 $0x1;
	p0 =	seq.s32 s7, s2  }
0x1e: {  	s7 =	smul.u32 @!p0 $0xF7A, s2;
	p2 =	seq.s32 @!p0 s5, $0x0  }
0x1f: {  	s9 =	smul.u32 $0xF7A, s1;
	s8 =	simm.s32 @!p0 $0x1BF5;
	p2 =	por !p2, p0  }
0x20: {  	[sflag:s8] =	ssyncset.s32 @!p0 $0xFFFFF086;
	s6 =	sadd.s32 @!p0 s3, s7;
	s7 =	simm.s32 @!p0 $0x108  }
0x21: {  	s3 =	sadd.s32 s3, s9;
	s6 =	sadd.s32 @!p0 $0x88, s6;
	s7 =	simm.s32 @p2 $0x1082  }
0x22: {  	[simem:s7], [sflag:s8] =	dma.local @!p0 [hbm:s6], $0xF7A  }
0x23: {  	s9 =	sor.u32 $0xD0000000, s2;
	s6 =	simm.s32 $0x108;
	_ =	swait.ge @!p0 [sflag:s8], $0x0  }
0x24: {  	s3 =	sadd.s32 $0x88, s3;
	s6 =	simm.s32 @!p1 $0x1082;
	[sflag:s4] =	ssyncset.s32 $0xFFFFF086  }
0x25: {  	[simem:s6], [sflag:s4] =	dma.local [hbm:s3], $0xF7A  }
0x26: {  	[smem:$0x3F9E] =	sst s1;
	(tag) =	ssettag s2;
	_ =	strace s9  }
0x27: {  	s1 =	sld [smem:$0x3FAE]  }
0x28: {  	s2 =	sld [smem:$0x3FAF]  }
0x29: {  	s4 =	sld [smem:$0x3FB1]  }
0x2a: {  	p0 =	seq.s32 s5, $0x0;
	s5 =	sld [smem:$0x3FB2]  }
0x2b: {  	s6 =	sld [smem:$0x3FB3]  }
0x2c: {  	s7 =	sld [smem:$0x3FB4]  }
0x2d: {  	s3 =	simm.s32 $0x108;
	s8 =	sld [smem:$0x3FB5]  }
0x2e: {  	s3 =	simm.s32 @!p0 $0x1082;
	s9 =	sld [smem:$0x3FB6]  }
0x2f: {  	lr =	sadd.s32 s0, s3;
	s0 =	sld [smem:$0x3FAD]  }
0x30: {  	s3 =	sld [smem:$0x3FB0]  }
0x31: {  	[smem:$0x3FB9] =	sst s10  }
0x32: {  	s10 =	sld [smem:$0x3FB7];
	_ =	sdelay $0x3  }
0x33: {  	p0 =	seq.s32 s10, $0x1;
	s10 =	sld [smem:$0x3FB9];
	_ =	sdelay $0x3  }
0x34: {  	[smem:$0x3FB9] =	sst s10  }
0x35: {  	s10 =	sld [smem:$0x3FB8];
	_ =	sdelay $0x3  }
0x36: {  	p1 =	seq.s32 s10, $0x1;
	s10 =	sld [smem:$0x3FB9];
	_ =	sdelay $0x3  }
0x37: {  	[smem:$0x3FB9] =	sst s10  }
0x38: {  	s10 =	sld [smem:$0x3FBA]  }
0x39: {  	_ = 	snop;
	(pc) =	sbr.ind lr, $3  }
0x3a: {  	_ = 	snop  }
0x3b: {  	_ = 	snop  }
0x3c: {  	p2 =	seq.s32 s10, $0x1;
	s10 =	sld [smem:$0x3FB9]  }
0x3d: {  	_ =	shalt  }
0x3e: {  	_ =	shalt  }
0x3f: {  	_ =	shalt  }
0x40: {  	_ =	shalt  }
0x41: {  	_ =	shalt  }
0x42: {  	_ =	shalt  }
0x43: {  	_ =	shalt  }
0x44: {  	_ =	shalt  }
0x45: {  	_ =	shalt  }
0x46: {  	_ =	shalt  }
0x47: {  	_ =	shalt  }
0x48: {  	_ =	shalt  }
0x49: {  	_ =	shalt  }
0x4a: {  	_ =	shalt  }
0x4b: {  	_ =	shalt  }
0x4c: {  	_ =	shalt  }
0x4d: {  	_ =	shalt  }
0x4e: {  	_ =	shalt  }
0x4f: {  	_ =	shalt  }
0x50: {  	_ =	shalt  }
0x51: {  	_ =	shalt  }
0x52: {  	_ =	shalt  }
0x53: {  	_ =	shalt  }
0x54: {  	_ =	shalt  }
0x55: {  	_ =	shalt  }
0x56: {  	_ =	shalt  }
0x57: {  	_ =	shalt  }
0x58: {  	_ =	shalt  }
0x59: {  	_ =	shalt  }
0x5a: {  	_ =	shalt  }
0x5b: {  	_ =	shalt  }
0x5c: {  	_ =	shalt  }
0x5d: {  	_ =	shalt  }
0x5e: {  	_ =	shalt  }
0x5f: {  	_ =	shalt  }
0x60: {  	_ =	shalt  }
0x61: {  	_ =	shalt  }
0x62: {  	_ =	shalt  }
0x63: {  	_ =	shalt  }
0x64: {  	_ =	shalt  }
0x65: {  	_ =	shalt  }
0x66: {  	_ =	shalt  }
0x67: {  	_ =	shalt  }
0x68: {  	_ =	shalt  }
0x69: {  	_ =	shalt  }
0x6a: {  	_ =	shalt  }
0x6b: {  	_ =	shalt  }
0x6c: {  	_ =	shalt  }
0x6d: {  	_ =	shalt  }
0x6e: {  	_ =	shalt  }
0x6f: {  	_ =	shalt  }
0x70: {  	_ =	shalt  }
0x71: {  	_ =	shalt  }
0x72: {  	_ =	shalt  }
0x73: {  	_ =	shalt  }
0x74: {  	_ =	shalt  }
0x75: {  	_ =	shalt  }
0x76: {  	_ =	shalt  }
0x77: {  	_ =	shalt  }
0x78: {  	_ =	shalt  }
0x79: {  	_ =	shalt  }
0x7a: {  	_ =	shalt  }
0x7b: {  	_ =	shalt  }
0x7c: {  	_ =	shalt  }
0x7d: {  	_ =	shalt  }
0x7e: {  	_ =	shalt  }
0x7f: {  	_ =	shalt  }
0x80: {  	_ =	shalt  }
0x81: {  	_ =	shalt  }
0x82: {  	_ =	shalt  }
0x83: {  	_ =	shalt  }
0x84: {  	_ =	shalt  }
0x85: {  	_ =	shalt  }
0x86: {  	_ =	shalt  }
0x87: {  	_ =	shalt  }
.Lfunc_end0:
.L_simem_size_0:
called_computation_lowered:
.L_overlay_start_0:
0x88: {  	s2 =	sld [smem:$0x3FD9]  }
0x89: {  	s3 =	sld [smem:$0x3FFE];
	_ =	sdelay $0x1  }
0x8a: {  	s1 =	srdreg.scid  }
0x8b: {  	s0 =	sand.u32 $0x1, s1  }
0x8c: {  	s17 =	sshll.u32 s0, $0xA;
	s2 =	sadd.s32 s3, s2  }
0x8d: {  	s2 =	sadd.s32 s2, s17  }
0x8e: {  	[smem:$0x3FC5] =	sst s2  }
0x8f: {  	_ = 	snop  }
0x90: {  	s2 =	sld [smem:$0x3FC9]  }
0x91: {  	s18 =	sld [smem:$0x3FD0];
	(tm) =	ssettm $0x1  }
0x92: {  	s4 =	sld [smem:$0x3FFB];
	_ =	sdelay $0x3  }
0x93: {  	_ =	strace s4  }
0x94: {  	s4 =	sld [smem:$0x3FFC];
	_ =	sdelay $0x3  }
0x95: {  	_ =	strace s4  }
0x96: {  	s4 =	sld [smem:$0x3FFD];
	_ =	sdelay $0x3  }
0x97: {  	_ =	strace s4  }
0x98: {  	_ =	strace $0x8FFFFFFF  }
0x99: {  	s19 =	sld [smem:$0x3FDB];
	_ =	sdelay $0x1  }
0x9a: {  	s5 =	simm.s32 $_scs_section_size  }
0x9b: {  	s6 =	simm.s32 $_size__tile_overlayer_lowered;
	s7 =	simm.s32 $_tile_overlayer_lowered  }
0x9c: {  	s22 =	simm.s32 $0x1BFF;
	s21 =	sshll.u32 s7, $0x1;
	s4 =	sadd.s32 s5, s19  }
0x9d: {  	s8 =	simm.s32 $0x0;
	s20 =	sshll.u32 s6, $0x1;
	s6 =	sadd.s32 s21, s4  }
0x9e: {  	[timem:s8], [sflag:s22] =	dma.local [hbm:s6], s20  }
0x9f: {  	_ =	swait.ge [sflag:s22], s20  }
0xa0: {  	s5 =	ssub.s32 $0x0, s20;
	[sflag:s22] =	ssyncset.done $0x0  }
0xa1: {  	[sflag:s22] =	ssyncadd.s32 s5;
	_ =	sdelay $0x1  }
0xa2: {  	s23 =	simm.s32 $0x1B8B  }
0xa3: {  	_ =	swait.ge [sflag:s23], $0x1  }
0xa4: {  	[sflag:s23] =	ssyncset.done $0x0  }
0xa5: {  	s25 =	simm.s32 $0x1B8E;
	s24 =	sld [smem:$0x3FFE];
	[sflag:s23] =	ssyncadd.s32 $0xFFFFFFFF  }
0xa6: {  	s26 =	simm.s32 $execute0_lowered;
	[smem:$0x3FD2] =	sst s25  }
0xa7: {  	s6 =	sshll.u32 s26, $0x1;
	_ =	strace $0x80000046;
	[dreg:$0x1] =	wrdreg $0xFFFFFFFF  }
0xa8: {  	s28 =	simm.s32 $_size_execute0_lowered;
	s4 =	sadd.s32 s4, s6;
	[dreg:$0x0] =	wrdreg $0x0  }
0xa9: {  	s6 =	sshll.u32 s28, $0x1;
	[dreg:$0x2] =	wrdreg s4  }
0xaa: {  	[dreg:$0x3] =	wrdreg s6  }
0xab: {  	[dreg:$0x4] =	wrdreg $0xC0  }
0xac: {  	_ =	task [dreg:s8], $0x5FFFF  }
0xad: {  	[dreg:$0x1] =	wrdreg $0xFFFFFFFF  }
0xae: {  	[dreg:$0x0] =	wrdreg $0x60  }
0xaf: {  	[dreg:$0x2] =	wrdreg s2  }
0xb0: {  	[dreg:$0x3] =	wrdreg s24  }
0xb1: {  	[dreg:$0x4] =	wrdreg s18  }
0xb2: {  	[dreg:$0x5] =	wrdreg $0x9  }
0xb3: {  	_ =	task.clear_ibuf [dreg:s8], $0x6FFFF;
	_ =	strace $0x90000046  }
0xb4: {  	s29 =	simm.s32 $0x9;
	_ =	strace $0x80000048  }
0xb5: {  	_ =	swait.ge [sflag:s29], $0x1  }
0xb6: {  	[sflag:s29] =	ssyncadd.s32 $0xFFFFFFFF  }
0xb7: {  	_ =	strace $0x90000048  }
0xb8: {  	_ =	sfence  }
0xb9: {  	s30 =	sld [smem:$0x0];
	_ =	sdelay $0x2  }
0xba: {  	s31 =	sshll.u32 s1, $0xD;
	s1 =	sshrl.u32 s1, $0x2  }
0xbb: {  	s3 =	sand.u32 $0x4000, s31;
	s1 =	sadd.s32 s1, s30  }
0xbc: {  	s0 =	sor.u32 s3, s0;
	s1 =	sshll.u32 s1, $0x11  }
0xbd: {  	s0 =	sor.u32 s1, s0  }
0xbe: {  	s0 =	sadd.s32 $0x8F2B, s0  }
0xbf: {  	[sflag:s0] =	ssyncadd.remote.s32 $0x1  }
0xc0: {  	_ =	sfence.sel $0xFFFF  }
0xc1: {  	[dreg:$0x0] =	wrdreg $0xFFFFFFFF;
	(pc) =	sbr.abs _section_cstart, $3  }
0xc2: {  	[dreg:$0x1] =	wrdreg $0xFFFFFFFF  }
0xc3: {  	_ =	task.clear_ibuf [dreg:s8], $0x2FFFF;
	_ =	strace $0x9FFFFFFF  }
0xc4: {  	(tm) =	ssettm $0x7FFFFFFF  }
0xc5: {  	_ =	shalt  }
tec
execute0_lowered:
.L_overlay_start_1:
0x0: {  	(tag) =	ssettag $0x1  }
0x1: {  	s0 =	rddreg [dreg:$0x0]  }
0x2: {  	s1 =	rddreg [dreg:$0x1]  }
0x3: {  	s4 =	srdreg.scid;
	s3 =	simm.s32 $0x0;
	s2 =	stileid.u32  }
0x4: {  	s8 =	simm.s32 $0x2;
	s10 =	simm.s32 $0x1;
	s5 =	sand.u32 $0x1, s4  }
0x5: {  	[smem:$0x7FF] =	sst s3;
	s29 =	sshll.u32 s2, $0xA;
	s6 =	sshll.u32 s5, $0x9  }
0x6: {  	s4 =	sadd.s32 $0x400, s1;
	_ =	strace $0x80000047;
	s6 =	sor.u32 s6, s29  }
0x7: {  	s5 =	ssub.s32 $0x2, s5;
	s7 =	sshll.u32 s6, $0x4;
	s6 =	sshrl.u32 s6, $0x3  }
0x8: {  	s30 =	sshrl.u32 s5, $0x1;
	s1 =	sadd.s32 s7, s1;
	s0 =	sadd.s32 s0, s6  }
0x9: {  	s7 =	ssub.s32 s5, s30;
	[dreg:$0x4] =	wrdreg s0;
	s31 =	sadd.s32 $0xF42800, s1  }
0xa: {  	vm0 =	vmmov $0xff;
	s12 =	simm.s32 $0x0;
	s7 =	smax.u32 s7, $0x1;
	[dreg:$0x5] =	wrdreg s31  }
.LBB2_1:
0xb: {  	s0 =	rddreg [dreg:$0x4]  }
0xc: {  	[tilespmem:s3], [sflag:$0x2] =	stream.linear.gather [hbm4b:s0+s3], $0x200, $0x38;
	[tilespmem:$0x10280] =	vst v63  }
0xd: {  	_ =	swait.ge [sflag:s8], $0x200  }
0xe: {  	[sflag:s8] =	ssyncset.done $0x0  }
0xf: {  	[sflag:s8] =	ssyncadd.s32 $0xFFFFFE00  }
0x10: {  	s1 =	simm.s32 $0x10200;
	s9 =	rddreg [dreg:$0x2]  }
0x11: {  	[tilespmem:s1], [sflag:$0x2] =	stream.linear.gather [hbm4b:s9+s3], $0x80, $0x38;
	[tilespmem:$0x10280] =	vst v63  }
0x12: {  	_ =	swait.ge [sflag:s8], $0x80  }
0x13: {  	[sflag:s8] =	ssyncset.done $0x0  }
0x14: {  	[sflag:s8] =	ssyncadd.s32 $0xFFFFFF80  }
0x15: {  	v0 =	vld [tilespmem:s3+$0x0];
	_ =	sdelay $0x4  }
0x16: {  	v0 =	vshll.u32 v0, $0x4  }
0x17: {  	(v2sf) =	vpush v0, $0x2  }
0x18: {  	(v2sf) =	vpush v0, $0x0  }
0x19: {  	(v2sf) =	vpush v0, $0x1;
	_ =	sdelay $0x2  }
0x1a: {  	(v2sf) =	vpush v0, $0x3;
	_ =	sdelay $0x1  }
0x1b: {  	(v2sf) =	vpush v0, $0x4;
	_ =	sdelay $0x1  }
0x1c: {  	(v2sf) =	vpush v0, $0x5;
	_ =	sdelay $0x1  }
0x1d: {  	(v2sf) =	vpush v0, $0x6  }
0x1e: {  	s14 =	simm.s32 $0x4000;
	s13 =	simm.s32 $0x280  }
0x1f: {  	s15 =	simm.s32 $0x200;
	s18 =	simm.s32 $0x480;
	s19 =	simm.s32 $0x300  }
0x20: {  	s21 =	simm.s32 $0x380;
	s23 =	simm.s32 $0x600;
	s25 =	simm.s32 $0x400  }
0x21: {  	s26 =	simm.s32 $0x500;
	p0 =	por $0x1, $0x1;
	s11 =	spop (v2sf);
	(v2sf) =	vpush v0, $0x7  }
0x22: {  	s2 =	simm.s32 $0x580;
	s6 =	simm.s32 $0x700;
	s17 =	spop (v2sf);
	(v2sf) =	vpush v0, $0x8  }
0x23: {  	p0 =	por p0, p0;
	s1 =	sand.u32 $0x1FFFFFF0, s17;
	s16 =	spop (v2sf)  }
0x24: {  	s0 =	sand.u32 $0x1FFFFFF0, s11;
	(v2sf) =	vpush v0, $0x9;
	s1 =	sadd.s32 s4, s1;
	s16 =	sand.u32 $0x1FFFFFF0, s16  }
0x25: {  	[tilespmem:s15], [sflag:$0x1] =	stream.linear.gather [hbm4b:s1+s3], $0x80, $0x38;
	[tilespmem:$0x10280] =	vst v63  }
0x26: {  	s11 =	simm.s32 $0x680;
	s17 =	spop (v2sf);
	(v2sf) =	vpush v0, $0xA;
	s16 =	sadd.s32 s4, s16  }
0x27: {  	[tilespmem:s13], [sflag:$0x1] =	stream.linear.gather [hbm4b:s16+s3], $0x80, $0x38;
	[tilespmem:$0x10280] =	vst v63  }
0x28: {  	s0 =	sadd.s32 s4, s0;
	s20 =	sand.u32 $0x1FFFFFF0, s17;
	s22 =	spop (v2sf);
	(v2sf) =	vpush v0, $0xB  }
0x29: {  	[tilespmem:s19], [sflag:$0x1] =	stream.linear.gather [hbm4b:s0+s3], $0x80, $0x38;
	[tilespmem:$0x10280] =	vst v63  }
0x2a: {  	s24 =	spop (v2sf);
	(v2sf) =	vpush v0, $0xC;
	s16 =	sadd.s32 s4, s20;
	s13 =	sand.u32 $0x1FFFFFF0, s22  }
0x2b: {  	[tilespmem:s21], [sflag:$0x1] =	stream.linear.gather [hbm4b:s16+s3], $0x80, $0x38;
	[tilespmem:$0x10280] =	vst v63  }
0x2c: {  	(v2sf) =	vpush v0, $0xD;
	s28 =	spop (v2sf);
	s13 =	sadd.s32 s4, s13;
	s16 =	sand.u32 $0x1FFFFFF0, s24  }
0x2d: {  	[tilespmem:s25], [sflag:$0x1] =	stream.linear.gather [hbm4b:s13+s3], $0x80, $0x38;
	[tilespmem:$0x10280] =	vst v63  }
0x2e: {  	s15 =	simm.s32 $0x980;
	s29 =	sand.u32 $0x1FFFFFF0, s28;
	s16 =	sadd.s32 s4, s16  }
0x2f: {  	[tilespmem:s18], [sflag:$0x1] =	stream.linear.gather [hbm4b:s16+s3], $0x80, $0x38;
	[tilespmem:$0x10280] =	vst v63  }
0x30: {  	(v2sf) =	vpush v0, $0xE;
	s28 =	simm.s32 $0x880;
	s1 =	sadd.s32 s4, s29;
	s30 =	spop (v2sf)  }
0x31: {  	s21 =	simm.s32 $0x780;
	s16 =	sand.u32 $0x1FFFFFF0, s30;
	s31 =	spop (v2sf)  }
0x32: {  	(v2sf) =	vpush v0, $0xF;
	[tilespmem:s26], [sflag:$0x1] =	stream.linear.gather [hbm4b:s1+s3], $0x80, $0x38;
	[tilespmem:$0x10280] =	vst v63  }
0x33: {  	s5 =	sand.u32 $0x1FFFFFF0, s31;
	s16 =	sadd.s32 s4, s16;
	s9 =	spop (v2sf)  }
0x34: {  	[tilespmem:s2], [sflag:$0x1] =	stream.linear.gather [hbm4b:s16+s3], $0x80, $0x38;
	[tilespmem:$0x10280] =	vst v63  }
0x35: {  	s13 =	sadd.s32 s4, s5;
	s17 =	sand.u32 $0x1FFFFFF0, s9;
	s18 =	spop (v2sf)  }
0x36: {  	[tilespmem:s23], [sflag:$0x1] =	stream.linear.gather [hbm4b:s13+s3], $0x80, $0x38;
	[tilespmem:$0x10280] =	vst v63  }
0x37: {  	s16 =	sand.u32 $0x1FFFFFF0, s18;
	s20 =	spop (v2sf);
	s13 =	sadd.s32 s4, s17  }
0x38: {  	[tilespmem:s11], [sflag:$0x1] =	stream.linear.gather [hbm4b:s13+s3], $0x80, $0x38;
	[tilespmem:$0x10280] =	vst v63  }
0x39: {  	s16 =	sadd.s32 s4, s16;
	s22 =	spop (v2sf);
	s13 =	sand.u32 $0x1FFFFFF0, s20  }
0x3a: {  	[tilespmem:s6], [sflag:$0x1] =	stream.linear.gather [hbm4b:s16+s3], $0x80, $0x38;
	[tilespmem:$0x10280] =	vst v63  }
0x3b: {  	s23 =	spop (v2sf);
	s13 =	sadd.s32 s4, s13;
	s16 =	sand.u32 $0x1FFFFFF0, s22  }
0x3c: {  	[tilespmem:s21], [sflag:$0x1] =	stream.linear.gather [hbm4b:s13+s3], $0x80, $0x38;
	[tilespmem:$0x10280] =	vst v63  }
0x3d: {  	s19 =	simm.s32 $0x800;
	s24 =	sand.u32 $0x1FFFFFF0, s23;
	s16 =	sadd.s32 s4, s16  }
0x3e: {  	[tilespmem:s19], [sflag:$0x1] =	stream.linear.gather [hbm4b:s16+s3], $0x80, $0x38;
	[tilespmem:$0x10280] =	vst v63  }
0x3f: {  	s29 =	simm.s32 $0x900;
	s25 =	spop (v2sf);
	s1 =	sadd.s32 s4, s24  }
0x40: {  	[tilespmem:s28], [sflag:$0x1] =	stream.linear.gather [hbm4b:s1+s3], $0x80, $0x38;
	[tilespmem:$0x10280] =	vst v63  }
0x41: {  	s17 =	simm.s32 $0x10;
	s26 =	sand.u32 $0x1FFFFFF0, s25;
	s30 =	spop (v2sf)  }
0x42: {  	s0 =	sadd.s32 s4, s26;
	s13 =	simm.s32 $0x800;
	s31 =	sand.u32 $0x1FFFFFF0, s30  }
0x43: {  	[tilespmem:s29], [sflag:$0x1] =	stream.linear.gather [hbm4b:s0+s3], $0x80, $0x38;
	[tilespmem:$0x10280] =	vst v63  }
0x44: {  	s19 =	simm.s32 @!p0 $0x1;
	s16 =	simm.s32 $0x1;
	s0 =	sadd.s32 s4, s31  }
.LBB2_2:
0x45: {  	s30 =	sadd.s32 $0x280, s13  }
0x46: {  	s1 =	sadd.s32 $0x980, s13;
	s18 =	smov.u32 s14;
	s14 =	sadd.s32 $0x2000, s14  }
0x47: {  	[tilespmem:s15], [sflag:$0x1] =	stream.linear.gather [hbm4b:s0+s3], $0x80, $0x38;
	[tilespmem:$0x10280] =	vst v63  }
0x48: {  	s23 =	sadd.s32 $0x480, s13;
	s20 =	sadd.s32 $0x600, s13;
	_ =	swait.ge @!p0 [sflag:s19], $0x400  }
0x49: {  	s26 =	sadd.s32 $0x400, s13;
	s0 =	sadd.s32 $0x200, s13;
	[sflag:s19] =	ssyncset.done @!p0 $0x0  }
0x4a: {  	s24 =	sadd.s32 $0x500, s13;
	p2 =	slt.u32 s16, $0x4;
	[sflag:s19] =	ssyncadd.s32 @!p0 $0xFFFFFC00  }
0x4b: {  	s31 =	sadd.s32 $0x300, s13;
	s21 =	sadd.s32 $0x700, s13;
	_ =	swait.ge @!p0 [sflag:s19], $0x400  }
0x4c: {  	s22 =	sadd.s32 $0x680, s13;
	p1 =	sne.s32 s14, $0x40000;
	[sflag:s19] =	ssyncset.done @!p0 $0x0  }
0x4d: {  	s15 =	smov.u32 s1;
	[sflag:s19] =	ssyncadd.s32 @!p0 $0xFFFFFC00;
	p0 =	por p2, p2  }
0x4e: {  	v0 =	vld [tilespmem:s17+$0x0]  }
0x4f: {  	s1 =	sadd.s32 $0x380, s13;
	_ =	sdelay $0x3  }
0x50: {  	v0 =	vshll.u32 v0, $0x4  }
0x51: {  	(v2sf) =	vpush v0, $0x2  }
0x52: {  	(v2sf) =	vpush v0, $0x0  }
0x53: {  	(v2sf) =	vpush v0, $0x1  }
0x54: {  	(v2sf) =	vpush v0, $0x3;
	_ =	sdelay $0x1  }
0x55: {  	(v2sf) =	vpush v0, $0x4;
	_ =	sdelay $0x1  }
0x56: {  	(v2sf) =	vpush v0, $0x5;
	_ =	sdelay $0x1  }
0x57: {  	(v2sf) =	vpush v0, $0x6  }
0x58: {  	s25 =	sadd.s32 $0x800, s13  }
0x59: {  	s29 =	sadd.s32 $0x780, s13;
	(v2sf) =	vpush v0, $0x7;
	_ =	sdelay $0x1  }
0x5a: {  	(v2sf) =	vpush v0, $0x8  }
0x5b: {  	s17 =	sadd.s32 $0x10, s17  }
0x5c: {  	s16 =	sadd.s32 $0x1, s16;
	s19 =	simm.s32 @!p0 $0x1;
	s28 =	spop (v2sf);
	(v2sf) =	vpush v0, $0x9  }
0x5d: {  	s2 =	sand.u32 $0x1FFFFFF0, s28;
	s28 =	sadd.s32 $0x900, s13;
	s9 =	spop (v2sf)  }
0x5e: {  	s11 =	sadd.s32 $0x580, s13;
	s9 =	sand.u32 $0x1FFFFFF0, s9;
	s5 =	spop (v2sf);
	(v2sf) =	vpush v0, $0xA  }
0x5f: {  	s9 =	sadd.s32 s4, s9;
	s5 =	sand.u32 $0x1FFFFFF0, s5;
	s6 =	spop (v2sf)  }
0x60: {  	[tilespmem:s0], [sflag:$0x1] =	stream.linear.gather [hbm4b:s9+s3], $0x80, $0x38;
	(v2sf) =	vpush v0, $0xB;
	[tilespmem:$0x10280] =	vst v63  }
0x61: {  	s0 =	sadd.s32 s4, s5;
	s5 =	sand.u32 $0x1FFFFFF0, s6;
	s6 =	spop (v2sf)  }
0x62: {  	[tilespmem:s30], [sflag:$0x1] =	stream.linear.gather [hbm4b:s0+s3], $0x80, $0x38;
	(v2sf) =	vpush v0, $0xC;
	[tilespmem:$0x10280] =	vst v63  }
0x63: {  	s0 =	sadd.s32 s4, s2;
	s2 =	sand.u32 $0x1FFFFFF0, s6;
	s6 =	spop (v2sf)  }
0x64: {  	[tilespmem:s31], [sflag:$0x1] =	stream.linear.gather [hbm4b:s0+s3], $0x80, $0x38;
	(v2sf) =	vpush v0, $0xD;
	[tilespmem:$0x10280] =	vst v63  }
0x65: {  	s0 =	sadd.s32 s4, s5;
	s5 =	sand.u32 $0x1FFFFFF0, s6;
	s6 =	spop (v2sf)  }
0x66: {  	[tilespmem:s1], [sflag:$0x1] =	stream.linear.gather [hbm4b:s0+s3], $0x80, $0x38;
	(v2sf) =	vpush v0, $0xE;
	[tilespmem:$0x10280] =	vst v63  }
0x67: {  	s0 =	sadd.s32 s4, s2;
	s1 =	sand.u32 $0x1FFFFFF0, s6;
	s2 =	spop (v2sf)  }
0x68: {  	[tilespmem:s26], [sflag:$0x1] =	stream.linear.gather [hbm4b:s0+s3], $0x80, $0x38;
	(v2sf) =	vpush v0, $0xF;
	[tilespmem:$0x10280] =	vst v63  }
0x69: {  	s0 =	sadd.s32 s4, s5;
	s2 =	sand.u32 $0x1FFFFFF0, s2;
	s5 =	spop (v2sf)  }
0x6a: {  	[tilespmem:s23], [sflag:$0x1] =	stream.linear.gather [hbm4b:s0+s3], $0x80, $0x38;
	[tilespmem:$0x10280] =	vst v63  }
0x6b: {  	s0 =	sadd.s32 s4, s1;
	s1 =	sand.u32 $0x1FFFFFF0, s5;
	s5 =	spop (v2sf)  }
0x6c: {  	[tilespmem:s24], [sflag:$0x1] =	stream.linear.gather [hbm4b:s0+s3], $0x80, $0x38;
	[tilespmem:$0x10280] =	vst v63  }
0x6d: {  	s0 =	sadd.s32 s4, s2;
	s2 =	sand.u32 $0x1FFFFFF0, s5;
	s5 =	spop (v2sf)  }
0x6e: {  	[tilespmem:s11], [sflag:$0x1] =	stream.linear.gather [hbm4b:s0+s3], $0x80, $0x38;
	[tilespmem:$0x10280] =	vst v63  }
0x6f: {  	s0 =	sadd.s32 s4, s1;
	s1 =	sand.u32 $0x1FFFFFF0, s5;
	s5 =	spop (v2sf)  }
0x70: {  	[tilespmem:s20], [sflag:$0x1] =	stream.linear.gather [hbm4b:s0+s3], $0x80, $0x38;
	[tilespmem:$0x10280] =	vst v63  }
0x71: {  	s0 =	sadd.s32 s4, s2;
	s2 =	sand.u32 $0x1FFFFFF0, s5;
	s5 =	spop (v2sf)  }
0x72: {  	[tilespmem:s22], [sflag:$0x1] =	stream.linear.gather [hbm4b:s0+s3], $0x80, $0x38;
	[tilespmem:$0x10280] =	vst v63  }
0x73: {  	s0 =	sadd.s32 s4, s1;
	s1 =	sand.u32 $0x1FFFFFF0, s5;
	s5 =	spop (v2sf)  }
0x74: {  	[tilespmem:s21], [sflag:$0x1] =	stream.linear.gather [hbm4b:s0+s3], $0x80, $0x38;
	[tilespmem:$0x10280] =	vst v63  }
0x75: {  	s0 =	sadd.s32 s4, s2;
	s2 =	sand.u32 $0x1FFFFFF0, s5;
	s5 =	spop (v2sf)  }
0x76: {  	[tilespmem:s29], [sflag:$0x1] =	stream.linear.gather [hbm4b:s0+s3], $0x80, $0x38;
	[tilespmem:$0x10280] =	vst v63  }
0x77: {  	s0 =	sadd.s32 s4, s1;
	s1 =	sand.u32 $0x1FFFFFF0, s5;
	s5 =	spop (v2sf)  }
0x78: {  	[tilespmem:s25], [sflag:$0x1] =	stream.linear.gather [hbm4b:s0+s3], $0x80, $0x38;
	[tilespmem:$0x10280] =	vst v63  }
.Ltmp0:
0x79: {  	_ = 	snop;
	(pc) =	sbr.rel @p1 .LBB2_2-.Ltmp0, $4  }
0x7a: {  	s2 =	sadd.s32 s4, s2;
	s0 =	sadd.s32 $0x880, s13;
	s5 =	sand.u32 $0x1FFFFFF0, s5  }
0x7b: {  	[tilespmem:s0], [sflag:$0x1] =	stream.linear.gather [hbm4b:s2+s3], $0x80, $0x38;
	[tilespmem:$0x10280] =	vst v63  }
0x7c: {  	s1 =	sadd.s32 s4, s1;
	s13 =	sshra.s32 s18, $0x2;
	s0 =	sadd.s32 s4, s5  }
0x7d: {  	[tilespmem:s28], [sflag:$0x1] =	stream.linear.gather [hbm4b:s1+s3], $0x80, $0x38;
	[tilespmem:$0x10280] =	vst v63  }
0x7e: {  	[tilespmem:s15], [sflag:$0x1] =	stream.linear.gather [hbm4b:s0+s3], $0x80, $0x38;
	[tilespmem:$0x10280] =	vst v63  }
0x7f: {  	_ =	swait.ge @!p0 [sflag:s19], $0x400  }
0x80: {  	[sflag:s19] =	ssyncset.done @!p0 $0x0  }
0x81: {  	[sflag:s19] =	ssyncadd.s32 @!p0 $0xFFFFFC00  }
0x82: {  	_ =	swait.ge @!p0 [sflag:s19], $0x400  }
0x83: {  	[sflag:s19] =	ssyncset.done @!p0 $0x0  }
0x84: {  	[sflag:s19] =	ssyncadd.s32 @!p0 $0xFFFFFC00  }
0x85: {  	v0 =	vld [tilespmem:s17+$0x0];
	_ =	sdelay $0x4  }
0x86: {  	v0 =	vshll.u32 v0, $0x4  }
0x87: {  	(v2sf) =	vpush v0, $0x2  }
0x88: {  	(v2sf) =	vpush v0, $0x0  }
0x89: {  	(v2sf) =	vpush v0, $0x1  }
0x8a: {  	(v2sf) =	vpush v0, $0x3;
	_ =	sdelay $0x1  }
0x8b: {  	(v2sf) =	vpush v0, $0x4;
	_ =	sdelay $0x1  }
0x8c: {  	(v2sf) =	vpush v0, $0x5;
	_ =	sdelay $0x1  }
0x8d: {  	(v2sf) =	vpush v0, $0x6;
	_ =	sdelay $0x1  }
0x8e: {  	s1 =	sadd.s32 $0x280, s13;
	(v2sf) =	vpush v0, $0x7  }
0x8f: {  	s2 =	sadd.s32 $0x480, s13;
	s5 =	sadd.s32 $0x600, s13;
	s6 =	sadd.s32 $0x200, s13  }
0x90: {  	s9 =	sadd.s32 $0x400, s13;
	s11 =	sadd.s32 $0x500, s13;
	p6 =	slt.u32 s16, $0x4;
	(v2sf) =	vpush v0, $0x8  }
0x91: {  	s14 =	sadd.s32 $0x300, s13;
	s15 =	sadd.s32 $0x700, s13;
	s16 =	sadd.s32 $0x680, s13  }
0x92: {  	s26 =	sadd.s32 $0x380, s13;
	s0 =	sadd.s32 $0x800, s13;
	s18 =	spop (v2sf)  }
0x93: {  	p0 =	por p6, p6;
	s19 =	sadd.s32 $0x780, s13;
	s20 =	spop (v2sf)  }
0x94: {  	(v2sf) =	vpush v0, $0x9;
	s18 =	sand.u32 $0x1FFFFFF0, s18;
	s20 =	sand.u32 $0x1FFFFFF0, s20;
	s21 =	spop (v2sf)  }
0x95: {  	s20 =	sadd.s32 s4, s20;
	s21 =	sand.u32 $0x1FFFFFF0, s21;
	s22 =	spop (v2sf)  }
0x96: {  	(v2sf) =	vpush v0, $0xA;
	[tilespmem:s6], [sflag:$0x1] =	stream.linear.gather [hbm4b:s20+s3], $0x80, $0x38;
	[tilespmem:$0x10280] =	vst v63  }
0x97: {  	s18 =	sadd.s32 s4, s18;
	s28 =	sadd.s32 s4, s21;
	s29 =	spop (v2sf)  }
0x98: {  	(v2sf) =	vpush v0, $0xB;
	[tilespmem:s1], [sflag:$0x1] =	stream.linear.gather [hbm4b:s28+s3], $0x80, $0x38;
	[tilespmem:$0x10280] =	vst v63  }
0x99: {  	s6 =	sadd.s32 $0x580, s13;
	s30 =	sand.u32 $0x1FFFFFF0, s22;
	s31 =	spop (v2sf)  }
0x9a: {  	(v2sf) =	vpush v0, $0xC;
	[tilespmem:s14], [sflag:$0x1] =	stream.linear.gather [hbm4b:s18+s3], $0x80, $0x38;
	[tilespmem:$0x10280] =	vst v63  }
0x9b: {  	s1 =	sadd.s32 s4, s30;
	s21 =	spop (v2sf);
	s18 =	sand.u32 $0x1FFFFFF0, s29  }
0x9c: {  	(v2sf) =	vpush v0, $0xD;
	[tilespmem:s26], [sflag:$0x1] =	stream.linear.gather [hbm4b:s1+s3], $0x80, $0x38;
	[tilespmem:$0x10280] =	vst v63  }
0x9d: {  	s22 =	sand.u32 $0x1FFFFFF0, s31;
	s23 =	spop (v2sf);
	s14 =	sadd.s32 s4, s18  }
0x9e: {  	(v2sf) =	vpush v0, $0xE;
	[tilespmem:s9], [sflag:$0x1] =	stream.linear.gather [hbm4b:s14+s3], $0x80, $0x38;
	[tilespmem:$0x10280] =	vst v63  }
0x9f: {  	s24 =	sand.u32 $0x1FFFFFF0, s21;
	s25 =	spop (v2sf);
	s1 =	sadd.s32 s4, s22  }
0xa0: {  	(v2sf) =	vpush v0, $0xF;
	[tilespmem:s2], [sflag:$0x1] =	stream.linear.gather [hbm4b:s1+s3], $0x80, $0x38;
	[tilespmem:$0x10280] =	vst v63  }
0xa1: {  	s28 =	sadd.s32 s4, s24;
	s30 =	sand.u32 $0x1FFFFFF0, s25;
	s26 =	sand.u32 $0x1FFFFFF0, s23  }
0xa2: {  	[tilespmem:s11], [sflag:$0x1] =	stream.linear.gather [hbm4b:s28+s3], $0x80, $0x38;
	[tilespmem:$0x10280] =	vst v63  }
0xa3: {  	s1 =	sadd.s32 s4, s26;
	s2 =	sadd.s32 s4, s30;
	s29 =	spop (v2sf)  }
0xa4: {  	[tilespmem:s6], [sflag:$0x1] =	stream.linear.gather [hbm4b:s1+s3], $0x80, $0x38;
	[tilespmem:$0x10280] =	vst v63  }
0xa5: {  	s31 =	spop (v2sf);
	s14 =	sand.u32 $0x1FFFFFF0, s29;
	s28 =	sadd.s32 $0x880, s13  }
0xa6: {  	[tilespmem:s5], [sflag:$0x1] =	stream.linear.gather [hbm4b:s2+s3], $0x80, $0x38;
	[tilespmem:$0x10280] =	vst v63  }
0xa7: {  	s17 =	spop (v2sf);
	s18 =	sand.u32 $0x1FFFFFF0, s31;
	s1 =	sadd.s32 s4, s14  }
0xa8: {  	[tilespmem:s16], [sflag:$0x1] =	stream.linear.gather [hbm4b:s1+s3], $0x80, $0x38;
	[tilespmem:$0x10280] =	vst v63  }
0xa9: {  	s20 =	spop (v2sf);
	s21 =	sand.u32 $0x1FFFFFF0, s17;
	s2 =	sadd.s32 s4, s18  }
0xaa: {  	[tilespmem:s15], [sflag:$0x1] =	stream.linear.gather [hbm4b:s2+s3], $0x80, $0x38;
	[tilespmem:$0x10280] =	vst v63  }
0xab: {  	s22 =	spop (v2sf);
	s23 =	sand.u32 $0x1FFFFFF0, s20;
	s1 =	sadd.s32 s4, s21  }
0xac: {  	[tilespmem:s19], [sflag:$0x1] =	stream.linear.gather [hbm4b:s1+s3], $0x80, $0x38;
	[tilespmem:$0x10280] =	vst v63  }
0xad: {  	s24 =	spop (v2sf);
	s25 =	sand.u32 $0x1FFFFFF0, s22;
	s2 =	sadd.s32 s4, s23  }
0xae: {  	[tilespmem:s0], [sflag:$0x1] =	stream.linear.gather [hbm4b:s2+s3], $0x80, $0x38;
	[tilespmem:$0x10280] =	vst v63  }
0xaf: {  	s5 =	sand.u32 $0x1FFFFFF0, s24;
	s26 =	spop (v2sf);
	s1 =	sadd.s32 s4, s25  }
0xb0: {  	[tilespmem:s28], [sflag:$0x1] =	stream.linear.gather [hbm4b:s1+s3], $0x80, $0x38;
	[tilespmem:$0x10280] =	vst v63  }
0xb1: {  	s29 =	sadd.s32 $0x900, s13;
	s30 =	sadd.s32 s4, s5;
	s0 =	sand.u32 $0x1FFFFFF0, s26  }
0xb2: {  	[tilespmem:s29], [sflag:$0x1] =	stream.linear.gather [hbm4b:s30+s3], $0x80, $0x38;
	[tilespmem:$0x10280] =	vst v63  }
0xb3: {  	s31 =	sadd.s32 $0x980, s13;
	s2 =	simm.s32 @!p0 $0x1;
	s0 =	sadd.s32 s4, s0  }
0xb4: {  	[tilespmem:s31], [sflag:$0x1] =	stream.linear.gather [hbm4b:s0+s3], $0x80, $0x38;
	[tilespmem:$0x10280] =	vst v63  }
0xb5: {  	_ =	swait.ge @!p0 [sflag:s2], $0x400  }
0xb6: {  	[sflag:s2] =	ssyncset.done @!p0 $0x0  }
0xb7: {  	[sflag:s2] =	ssyncadd.s32 @!p0 $0xFFFFFC00  }
0xb8: {  	_ =	swait.ge @!p0 [sflag:s2], $0x400  }
0xb9: {  	[sflag:s2] =	ssyncset.done @!p0 $0x0  }
0xba: {  	[sflag:s2] =	ssyncadd.s32 @!p0 $0xFFFFFC00  }
0xbb: {  	_ =	swait.ge [sflag:s10], $0x400  }
0xbc: {  	[sflag:s10] =	ssyncset.done $0x0  }
0xbd: {  	[sflag:s10] =	ssyncadd.s32 $0xFFFFFC00  }
0xbe: {  	_ =	swait.ge [sflag:s10], $0x400  }
0xbf: {  	[sflag:s10] =	ssyncset.done $0x0  }
0xc0: {  	[sflag:s10] =	ssyncadd.s32 $0xFFFFFC00  }
0xc1: {  	_ =	swait.ge [sflag:s10], $0x400  }
0xc2: {  	[sflag:s10] =	ssyncset.done $0x0  }
0xc3: {  	[sflag:s10] =	ssyncadd.s32 $0xFFFFFC00  }
0xc4: {  	_ =	swait.ge [sflag:s10], $0x400  }
0xc5: {  	[sflag:s10] =	ssyncset.done $0x0  }
0xc6: {  	[sflag:s10] =	ssyncadd.s32 $0xFFFFFC00  }
0xc7: {  	_ =	swait.ge [sflag:s10], $0x400  }
0xc8: {  	[sflag:s10] =	ssyncset.done $0x0  }
0xc9: {  	[sflag:s10] =	ssyncadd.s32 $0xFFFFFC00  }
0xca: {  	_ =	swait.ge [sflag:s10], $0x400  }
0xcb: {  	[sflag:s10] =	ssyncset.done $0x0  }
0xcc: {  	[sflag:s10] =	ssyncadd.s32 $0xFFFFFC00  }
0xcd: {  	_ =	swait.ge [sflag:s10], $0x400  }
0xce: {  	[sflag:s10] =	ssyncset.done $0x0  }
0xcf: {  	[sflag:s10] =	ssyncadd.s32 $0xFFFFFC00  }
0xd0: {  	_ =	swait.ge [sflag:s10], $0x400  }
0xd1: {  	[sflag:s10] =	ssyncset.done $0x0  }
0xd2: {  	[sflag:s10] =	ssyncadd.s32 $0xFFFFFC00  }
0xd3: {  	s0 =	simm.s32 $0x400;
	v0 =	vld [tilespmem:$0x10200]  }
0xd4: {  	v3 =	vld [tilespmem:s0+$0xFFFFFF80]  }
0xd5: {  	v5 =	vld [tilespmem:s0+$0xFFFFFE00]  }
0xd6: {  	v6 =	vld [tilespmem:s0+$0x180]  }
0xd7: {  	v4 =	vld [tilespmem:s0+$0x100]  }
0xd8: {  	v2 =	vld [tilespmem:s0+$0x80]  }
0xd9: {  	v1 =	vld [tilespmem:s0+$0xFFFFFE80];
	v7 =	vsel vm0, v0, v3  }
0xda: {  	v5 =	vsel vm0, v0, v5;
	v3 =	vld [tilespmem:s0+$0xFFFFFF00];
	[tilespmem:s0+$0xFFFFFF80] =	vst v7  }
0xdb: {  	s13 =	simm.s32 $0x800;
	s1 =	simm.s32 $0x0;
	v6 =	vsel vm0, v0, v6;
	[tilespmem:s0+$0xFFFFFE00] =	vst v5;
	v5 =	vld [tilespmem:s0+$0x0]  }
.LBB2_4:
0xdc: {  	v7 =	vld [tilespmem:s13+$0xFFFFFF80];
	s1 =	sadd.s32 $0x8, s1;
	v4 =	vsel vm0, v0, v4;
	[tilespmem:s0+$0x180] =	vst v6  }
0xdd: {  	v6 =	vld [tilespmem:s13+$0xFFFFFE00];
	p0 =	slt.u32 s1, $0x1F8;
	v2 =	vsel vm0, v0, v2;
	[tilespmem:s0+$0x100] =	vst v4  }
0xde: {  	v8 =	vld [tilespmem:s13+$0x180];
	v1 =	vsel vm0, v0, v1;
	[tilespmem:s0+$0x80] =	vst v2  }
.Ltmp1:
0xdf: {  	v4 =	vld [tilespmem:s13+$0x100];
	[tilespmem:s0+$0xFFFFFE80] =	vst v1;
	v1 =	vsel vm0, v0, v3;
	(pc) =	sbr.rel @p0 .LBB2_4-.Ltmp1, $4  }
0xe0: {  	v2 =	vld [tilespmem:s13+$0x80];
	[tilespmem:s0+$0xFFFFFF00] =	vst v1;
	v3 =	vsel vm0, v0, v5  }
0xe1: {  	v1 =	vld [tilespmem:s13+$0xFFFFFE80];
	v5 =	vsel vm0, v0, v7;
	[tilespmem:s0+$0x0] =	vst v3;
	s0 =	smov.u32 s13  }
0xe2: {  	v6 =	vsel vm0, v0, v6;
	v3 =	vld [tilespmem:s13+$0xFFFFFF00];
	[tilespmem:s13+$0xFFFFFF80] =	vst v5  }
0xe3: {  	s13 =	sadd.s32 $0x400, s13;
	[tilespmem:s0+$0xFFFFFE00] =	vst v6;
	v5 =	vld [tilespmem:s0+$0x0];
	v6 =	vsel vm0, v0, v8  }
0xe4: {  	v4 =	vsel vm0, v0, v4;
	[tilespmem:s0+$0x180] =	vst v6  }
0xe5: {  	v2 =	vsel vm0, v0, v2;
	[tilespmem:s0+$0x100] =	vst v4  }
0xe6: {  	v1 =	vsel vm0, v0, v1;
	[tilespmem:s0+$0x80] =	vst v2  }
0xe7: {  	s12 =	sadd.s32 $0x1, s12;
	[tilespmem:s0+$0xFFFFFE80] =	vst v1;
	v62 =	vsel vm0, v0, v3  }
0xe8: {  	p0 =	sne.s32 s12, s7;
	[tilespmem:s0+$0xFFFFFF00] =	vst v62;
	v63 =	vsel vm0, v0, v5  }
.Ltmp2:
0xe9: {  	s31 =	rddreg [dreg:$0x5];
	s1 =	simm.s32 $0x200;
	[tilespmem:s0+$0x0] =	vst v63;
	(pc) =	sbr.rel @p0 .LBB2_1-.Ltmp2, $4  }
0xea: {  	[hbm4b:s31+s3] =	stream.linear.scatter [tilespmem:s1], [sflag:$0x2], $0x10000, $0x38;
	[tilespmem:$0x10280] =	vst v63  }
0xeb: {  	_ =	swait.ge [sflag:s8], $0x10000  }
0xec: {  	[sflag:s8] =	ssyncset.done $0x0  }
0xed: {  	[sflag:s8] =	ssyncadd.s32 $0xFFFF0000  }
0xee: {  	_ =	sfence.sel $0x180000  }
0xef: {  	[bflag:$0x0] =	sbarrier.arrive $0xFFFF  }
0xf0: {  	_ =	strace $0x90000047  }
0xf1: {  	s0 =	stileid.u32;
	[bflag:$0x2] =	sbarrier.arrive $0xFFFF  }
0xf2: {  	p0 =	sne.s32 s0, $0x0;
	s0 =	rddreg [dreg:$0x3]  }
0xf3: {  	s0 =	sadd.s32 @!p0 $0x100000, s0  }
0xf4: {  	[sflag:s0] =	ssyncadd.tile.s32 @!p0 $0x1;
	_ =	shalt  }
.Lfunc_end2:
_tile_overlayer_lowered:
.L_overlay_start_2:
0xf5: {  	(tag) =	ssettag $0x2  }
0xf6: {  	s0 =	rddreg [dreg:$0x0];
	s2 =	stileid.u32  }
0xf7: {  	s1 =	rddreg [dreg:$0x1];
	p0 =	sne.s32 s2, $0x0  }
0xf8: {  	s3 =	rddreg [dreg:$0x2];
	[bflag:$0x3] =	sbarrier.arrive $0xFFFF;
	s2 =	simm.s32 @!p0 $0x1C02  }
0xf9: {  	[timem:s3], [sflag:s2] =	dma.local @!p0 [hbm:s0], s1  }
0xfa: {  	s0 =	simm.s32 @!p0 $0x2  }
0xfb: {  	_ =	swait.ge @!p0 [sflag:s0], s1  }
0xfc: {  	s1 =	ssub.s32 @!p0 $0x0, s1;
	[sflag:s0] =	ssyncset.done @!p0 $0x0  }
0xfd: {  	[sflag:s0] =	ssyncadd.s32 @!p0 s1  }
0xfe: {  	[bflag:$0x3] =	sbarrier.arrive $0xFFFF  }
0xff: {  	_ =	shalt  }

</sc_bundles>
